<compile_context>
chip_gen: v7x
topology: tpu7x:2x2x1
jax: 0.10.2.dev20260603
libtpu: 0.0.44.dev20260713+nightly
codegen_flags: <defaults>
</compile_context>

<pallas_src>
import jax
import jax.numpy as jnp
from jax import lax
from jax.experimental import pallas as pl
from jax.experimental.pallas import tpu as pltpu
from jax.experimental.pallas import tpu_sc as plsc

R = 2.0
T = 1.0

N_NODES = 10000
D = 128
N_EDGES = 320000

NC = 2
NS = 16
NW = NC * NS
L = 16

EPW = N_EDGES // NW
K = 80
NBUF = 5
NCHUNK = EPW // K


def _renorm_body(h_ref, o_ref):
    h = h_ref[...]
    norm = jnp.sqrt(jnp.sum(h * h, axis=-1, keepdims=True))
    scale = jnp.where(norm > 1.0, 1.0 / (norm + 1e-7), 1.0)
    o_ref[...] = (h * scale).astype(jnp.bfloat16)


def _renorm(h):
    rows = h.shape[0]
    blk = 1000
    return pl.pallas_call(
        _renorm_body,
        grid=(rows // blk,),
        in_specs=[pl.BlockSpec((blk, D), lambda i: (i, 0))],
        out_specs=pl.BlockSpec((blk, D), lambda i: (i, 0)),
        out_shape=jax.ShapeDtypeStruct((rows, D), jnp.bfloat16),
    )(h)


def _decode_body(hn_hbm, idx0_hbm, idx1_hbm, out_hbm,
                 idx0_v, idx1_v, rows_v, out_v, hn_sh, *sems):
    wid = lax.axis_index("s") * NC + lax.axis_index("c")
    base = wid * EPW

    @pl.when(lax.axis_index("s") == 0)
    def _():
        pltpu.sync_copy(hn_hbm, hn_sh)

    pltpu.sync_copy(idx0_hbm.at[pl.ds(base, EPW)], idx0_v)
    pltpu.sync_copy(idx1_hbm.at[pl.ds(base, EPW)], idx1_v)
    plsc.subcore_barrier()

    bufs = [(rows_v[2 * i], rows_v[2 * i + 1], sems[2 * i], sems[2 * i + 1])
            for i in range(NBUF)]

    def start(c, buf):
        r0, r1, semh, sems_ = buf
        pltpu.async_copy(hn_hbm.at[idx0_v.at[pl.ds(c * K, K)]], r0, semh)
        pltpu.async_copy(hn_sh.at[idx1_v.at[pl.ds(c * K, K)]], r1, sems_)

    def wait(buf):
        r0, r1, semh, sems_ = buf
        pltpu.make_async_copy(hn_hbm.at[pl.ds(0, K)], r0, semh).wait()
        pltpu.make_async_copy(hn_hbm.at[pl.ds(0, K)], r1, sems_).wait()

    lane15 = jnp.arange(L, dtype=jnp.int32) == (L - 1)

    def compute(c, r0, r1):
        cbase = c * K

        @plsc.parallel_loop(0, K, unroll=4)
        def edge_body(e):
            paccs = [None, None]
            for d in range(D // (2 * L)):
                a = plsc.bitcast(r0[e, pl.ds(d * L, L)], jnp.bfloat16)
                b = plsc.bitcast(r1[e, pl.ds(d * L, L)], jnp.bfloat16)
                df = a - b
                sq2 = df * df
                i = d % 2
                paccs[i] = sq2 if paccs[i] is None else paccs[i] + sq2
            lo0, hi0 = plsc.unpack(paccs[0], format=plsc.PackFormat.INTERLEAVED)
            lo1, hi1 = plsc.unpack(paccs[1], format=plsc.PackFormat.INTERLEAVED)
            sqv = plsc.cumsum((lo0 + hi0) + (lo1 + hi1))
            pos = jnp.full((L,), cbase + e, dtype=jnp.int32)
            plsc.store_scatter(out_v, [pos], sqv, mask=lane15)

    for i in range(NBUF):
        start(i, bufs[i])

    def ring_body(j, carry):
        for i in range(NBUF):
            c = NBUF * j + i
            wait(bufs[i])
            compute(c, bufs[i][0], bufs[i][1])

            @pl.when(c + NBUF < NCHUNK)
            def _():
                start(c + NBUF, bufs[i])

        return carry

    assert NCHUNK % NBUF == 0
    lax.fori_loop(0, NCHUNK // NBUF, ring_body, 0)

    @plsc.parallel_loop(0, EPW // L, unroll=2)
    def prob_body(g):
        sq = out_v[pl.ds(g * L, L)]
        out_v[pl.ds(g * L, L)] = 1.0 / (jnp.exp((sq - R) * (1.0 / T)) + 1.0)

    pltpu.sync_copy(out_v, out_hbm.at[pl.ds(base, EPW)])


@jax.jit
def _decode(hn, idx0, idx1):
    mesh = plsc.VectorSubcoreMesh(core_axis_name="c", subcore_axis_name="s")
    return pl.kernel(
        _decode_body,
        mesh=mesh,
        out_type=jax.ShapeDtypeStruct((N_EDGES,), jnp.float32),
        scratch_types=[
            pltpu.VMEM((EPW,), jnp.int32),
            pltpu.VMEM((EPW,), jnp.int32),
            [pltpu.VMEM((K, D // 2), jnp.int32) for _ in range(2 * NBUF)],
            pltpu.VMEM((EPW,), jnp.float32),
            pltpu.VMEM_SHARED((N_NODES, D // 2), jnp.int32),
            *[pltpu.SemaphoreType.DMA for _ in range(2 * NBUF)],
        ],
        compiler_params=pltpu.CompilerParams(
            needs_layout_passes=False, use_tc_tiling_on_sc=False),
    )(hn, idx0, idx1)


def kernel(h, idx):
    idx = idx.astype(jnp.int32)
    hb = _renorm(h)
    hn32 = jax.lax.bitcast_convert_type(
        hb.reshape(N_NODES, D // 2, 2), jnp.int32)
    return _decode(hn32, idx[:, 0], idx[:, 1])

# --- scband reference (transcript-rebuilt; emitter-appended) ---
"""Pipeline reference for scband-lpmodel-33560874451564 (READ-ONLY COPY).

The authoritative reference and input builder live on the scoring server;
editing this copy changes nothing except your own understanding.
"""

import jax, jax.numpy as jnp
import numpy as np

R = 2.0  # FermiDiracDecoder r (args.r)
T = 1.0  # FermiDiracDecoder t (args.t)
C = 1.0  # curvature (unused for Euclidean sqdist in HGCN impl)


def setup_inputs(seed: int = 0) -> dict:
    key = jax.random.key(seed)
    k1, k2 = jax.random.split(key)
    n_nodes, d = 10000, 128
    n_edges = 320000
    h = jax.random.normal(k1, (n_nodes, d), dtype=jnp.float32)
    idx = jax.random.randint(k2, (n_edges, 2), 0, n_nodes, dtype=jnp.int64)
    return {"h": h, "idx": idx}


def _euclidean_renorm(h, maxnorm=1.0, eps=1e-7):
    # torch renorm_(2, 0, 1.): scale rows whose L2 norm exceeds maxnorm down to maxnorm
    norm = jnp.linalg.norm(h, axis=-1, keepdims=True)
    scale = jnp.where(norm > maxnorm, maxnorm / (norm + eps), 1.0)
    return h * scale


def reference(h, idx):
    # LPModel.decode with Euclidean manifold:
    #   h = manifold.normalize(h)
    #   emb_in = h[idx[:,0]]; emb_out = h[idx[:,1]]
    #   sqdist = ||emb_in - emb_out||^2
    #   probs = 1 / (exp((sqdist - r)/t) + 1)   (FermiDiracDecoder)
    h = _euclidean_renorm(h)
    emb_in = jnp.take(h, idx[:, 0], axis=0)
    emb_out = jnp.take(h, idx[:, 1], axis=0)
    sqdist = jnp.sum((emb_in - emb_out) ** 2, axis=-1)
    probs = 1.0 / (jnp.exp((sqdist - R) / T) + 1.0)
    return probs

if __name__ == "__main__":
    import jax
    _d = setup_inputs()
    print(jax.jit(kernel)(*tuple(_d.values())))

</pallas_src>

<mosaic_0001>
#map = affine_map<(d0, d1) -> (0, 0)>
#map1 = affine_map<(d0, d1) -> (0)>
module attributes {stable_mosaic.version = 14 : i64} {
  func.func @_decode_body(%arg0: i32, %arg1: i32, %arg2: memref<10000x64xi32, #tpu.memory_space<hbm>>, %arg3: memref<320000xi32, #tpu.memory_space<hbm>>, %arg4: memref<320000xi32, #tpu.memory_space<hbm>>, %arg5: memref<320000xf32, #tpu.memory_space<hbm>>, %arg6: memref<10000xi32, #tpu.memory_space<vmem>>, %arg7: memref<10000xi32, #tpu.memory_space<vmem>>, %arg8: memref<80x64xi32, #tpu.memory_space<vmem>>, %arg9: memref<80x64xi32, #tpu.memory_space<vmem>>, %arg10: memref<80x64xi32, #tpu.memory_space<vmem>>, %arg11: memref<80x64xi32, #tpu.memory_space<vmem>>, %arg12: memref<80x64xi32, #tpu.memory_space<vmem>>, %arg13: memref<80x64xi32, #tpu.memory_space<vmem>>, %arg14: memref<80x64xi32, #tpu.memory_space<vmem>>, %arg15: memref<80x64xi32, #tpu.memory_space<vmem>>, %arg16: memref<80x64xi32, #tpu.memory_space<vmem>>, %arg17: memref<80x64xi32, #tpu.memory_space<vmem>>, %arg18: memref<10000xf32, #tpu.memory_space<vmem>>, %arg19: memref<10000x64xi32, #tpu.memory_space<vmem_shared>>, %arg20: memref<!tpu.dma_semaphore, #tpu.memory_space<semaphore_mem>>, %arg21: memref<!tpu.dma_semaphore, #tpu.memory_space<semaphore_mem>>, %arg22: memref<!tpu.dma_semaphore, #tpu.memory_space<semaphore_mem>>, %arg23: memref<!tpu.dma_semaphore, #tpu.memory_space<semaphore_mem>>, %arg24: memref<!tpu.dma_semaphore, #tpu.memory_space<semaphore_mem>>, %arg25: memref<!tpu.dma_semaphore, #tpu.memory_space<semaphore_mem>>, %arg26: memref<!tpu.dma_semaphore, #tpu.memory_space<semaphore_mem>>, %arg27: memref<!tpu.dma_semaphore, #tpu.memory_space<semaphore_mem>>, %arg28: memref<!tpu.dma_semaphore, #tpu.memory_space<semaphore_mem>>, %arg29: memref<!tpu.dma_semaphore, #tpu.memory_space<semaphore_mem>>) attributes {dimension_semantics = [#tpu.dimension_semantics<core_parallel>, #tpu.dimension_semantics<subcore_parallel>], iteration_bounds = array<i64: 2, 16>, scalar_prefetch = 0 : i64, scratch_operands = 24 : i64, tpu.core_type = #tpu.core_type<sc_vector_subcore>, window_params = [{transform_indices = #map}, {transform_indices = #map1}, {transform_indices = #map1}, {transform_indices = #map1}]} {
    %mul3A = arith.constant 2 : i32
    %mul3A_0 = arith.muli %arg1, %mul3A : i32
    %add3A = arith.addi %mul3A_0, %arg0 : i32
    %mul3A_1 = arith.constant 10000 : i32
    %mul3A_2 = arith.muli %add3A, %mul3A_1 : i32
    %eq3A = arith.constant 0 : i32
    %eq3A_3 = arith.cmpi eq, %arg1, %eq3A : i32
    %convert_element_type3A = arith.extui %eq3A_3 : i1 to i32
    %cond3A = arith.constant 0 : i32
    %cond3A_4 = arith.cmpi ne, %convert_element_type3A, %cond3A : i32
    scf.if %cond3A_4 {
      "tpu.region"() ({
        %run_scoped3A = tpu.sem_alloc : memref<!tpu.dma_semaphore, #tpu.memory_space<semaphore_mem>>
        tpu.enqueue_dma source(%arg2 : memref<10000x64xi32, #tpu.memory_space<hbm>>) target(%arg19 : memref<10000x64xi32, #tpu.memory_space<vmem_shared>>) target_semaphore(%run_scoped3A : memref<!tpu.dma_semaphore, #tpu.memory_space<semaphore_mem>>)
        tpu.wait_dma2 semaphore(%run_scoped3A : memref<!tpu.dma_semaphore, #tpu.memory_space<semaphore_mem>>) src(%arg2 : memref<10000x64xi32, #tpu.memory_space<hbm>>) dst(%arg19 : memref<10000x64xi32, #tpu.memory_space<vmem_shared>>)
        tpu.yield
      }) : () -> ()
    } else {
    }
    "tpu.region"() ({
      %run_scoped3A = tpu.sem_alloc : memref<!tpu.dma_semaphore, #tpu.memory_space<semaphore_mem>>
      %dma_start3A_64 = tpu.memref_slice %arg3[%mul3A_2] : memref<320000xi32, #tpu.memory_space<hbm>> -> memref<10000xi32, #tpu.memory_space<hbm>>
      %dma_start3A_65 = tpu.memref_slice %arg3[%mul3A_2] : memref<320000xi32, #tpu.memory_space<hbm>> -> memref<10000xi32, #tpu.memory_space<hbm>>
      tpu.enqueue_dma source(%dma_start3A_65 : memref<10000xi32, #tpu.memory_space<hbm>>) target(%arg6 : memref<10000xi32, #tpu.memory_space<vmem>>) target_semaphore(%run_scoped3A : memref<!tpu.dma_semaphore, #tpu.memory_space<semaphore_mem>>)
      %dma_wait3A = tpu.memref_slice %arg3[%mul3A_2] : memref<320000xi32, #tpu.memory_space<hbm>> -> memref<10000xi32, #tpu.memory_space<hbm>>
      %dma_wait3A_66 = tpu.memref_slice %arg3[%mul3A_2] : memref<320000xi32, #tpu.memory_space<hbm>> -> memref<10000xi32, #tpu.memory_space<hbm>>
      tpu.wait_dma2 semaphore(%run_scoped3A : memref<!tpu.dma_semaphore, #tpu.memory_space<semaphore_mem>>) src(%dma_wait3A_66 : memref<10000xi32, #tpu.memory_space<hbm>>) dst(%arg6 : memref<10000xi32, #tpu.memory_space<vmem>>)
      tpu.yield
    }) : () -> ()
    "tpu.region"() ({
      %run_scoped3A = tpu.sem_alloc : memref<!tpu.dma_semaphore, #tpu.memory_space<semaphore_mem>>
      %dma_start3A_64 = tpu.memref_slice %arg4[%mul3A_2] : memref<320000xi32, #tpu.memory_space<hbm>> -> memref<10000xi32, #tpu.memory_space<hbm>>
      %dma_start3A_65 = tpu.memref_slice %arg4[%mul3A_2] : memref<320000xi32, #tpu.memory_space<hbm>> -> memref<10000xi32, #tpu.memory_space<hbm>>
      tpu.enqueue_dma source(%dma_start3A_65 : memref<10000xi32, #tpu.memory_space<hbm>>) target(%arg7 : memref<10000xi32, #tpu.memory_space<vmem>>) target_semaphore(%run_scoped3A : memref<!tpu.dma_semaphore, #tpu.memory_space<semaphore_mem>>)
      %dma_wait3A = tpu.memref_slice %arg4[%mul3A_2] : memref<320000xi32, #tpu.memory_space<hbm>> -> memref<10000xi32, #tpu.memory_space<hbm>>
      %dma_wait3A_66 = tpu.memref_slice %arg4[%mul3A_2] : memref<320000xi32, #tpu.memory_space<hbm>> -> memref<10000xi32, #tpu.memory_space<hbm>>
      tpu.wait_dma2 semaphore(%run_scoped3A : memref<!tpu.dma_semaphore, #tpu.memory_space<semaphore_mem>>) src(%dma_wait3A_66 : memref<10000xi32, #tpu.memory_space<hbm>>) dst(%arg7 : memref<10000xi32, #tpu.memory_space<vmem>>)
      tpu.yield
    }) : () -> ()
    %barrier3A = arith.constant 0 : index
    tpu.barrier barrier_id(%barrier3A)
    %iota3A = tpu.iota {dimensions = array<i32: 0>} : vector<16xi32>
    %eq3A_5 = arith.constant 15 : i32
    %eq3A_6 = vector.broadcast %eq3A_5 : i32 to vector<16xi32>
    %eq3A_7 = arith.cmpi eq, %iota3A, %eq3A_6 : vector<16xi32>
    %dma_start3A = arith.constant 0 : i32
    %dma_start3A_8 = tpu.memref_slice %arg6[%dma_start3A] : memref<10000xi32, #tpu.memory_space<vmem>> -> memref<80xi32, #tpu.memory_space<vmem>>
    %dma_start3A_9 = arith.constant 0 : i32
    %dma_start3A_10 = arith.constant 0 : i32
    %dma_start3A_11 = tpu.memref_slice %arg2[%dma_start3A_9, %dma_start3A_10] : memref<10000x64xi32, #tpu.memory_space<hbm>> -> memref<10000x64xi32, #tpu.memory_space<hbm>>
    tpu.enqueue_indirect_dma source(%dma_start3A_11 : memref<10000x64xi32, #tpu.memory_space<hbm>>) target(%arg8 : memref<80x64xi32, #tpu.memory_space<vmem>>) offsets(%dma_start3A_8 : memref<80xi32, #tpu.memory_space<vmem>>) semaphore(%arg20 : memref<!tpu.dma_semaphore, #tpu.memory_space<semaphore_mem>>)
    %dma_start3A_12 = arith.constant 0 : i32
    %dma_start3A_13 = tpu.memref_slice %arg7[%dma_start3A_12] : memref<10000xi32, #tpu.memory_space<vmem>> -> memref<80xi32, #tpu.memory_space<vmem>>
    %dma_start3A_14 = arith.constant 0 : i32
    %dma_start3A_15 = arith.constant 0 : i32
    %dma_start3A_16 = tpu.memref_slice %arg19[%dma_start3A_14, %dma_start3A_15] : memref<10000x64xi32, #tpu.memory_space<vmem_shared>> -> memref<10000x64xi32, #tpu.memory_space<vmem_shared>>
    tpu.enqueue_indirect_dma source(%dma_start3A_16 : memref<10000x64xi32, #tpu.memory_space<vmem_shared>>) target(%arg9 : memref<80x64xi32, #tpu.memory_space<vmem>>) offsets(%dma_start3A_13 : memref<80xi32, #tpu.memory_space<vmem>>) semaphore(%arg21 : memref<!tpu.dma_semaphore, #tpu.memory_space<semaphore_mem>>)
    %dma_start3A_17 = arith.constant 80 : i32
    %dma_start3A_18 = tpu.memref_slice %arg6[%dma_start3A_17] : memref<10000xi32, #tpu.memory_space<vmem>> -> memref<80xi32, #tpu.memory_space<vmem>>
    %dma_start3A_19 = arith.constant 0 : i32
    %dma_start3A_20 = arith.constant 0 : i32
    %dma_start3A_21 = tpu.memref_slice %arg2[%dma_start3A_19, %dma_start3A_20] : memref<10000x64xi32, #tpu.memory_space<hbm>> -> memref<10000x64xi32, #tpu.memory_space<hbm>>
    tpu.enqueue_indirect_dma source(%dma_start3A_21 : memref<10000x64xi32, #tpu.memory_space<hbm>>) target(%arg10 : memref<80x64xi32, #tpu.memory_space<vmem>>) offsets(%dma_start3A_18 : memref<80xi32, #tpu.memory_space<vmem>>) semaphore(%arg22 : memref<!tpu.dma_semaphore, #tpu.memory_space<semaphore_mem>>)
    %dma_start3A_22 = arith.constant 80 : i32
    %dma_start3A_23 = tpu.memref_slice %arg7[%dma_start3A_22] : memref<10000xi32, #tpu.memory_space<vmem>> -> memref<80xi32, #tpu.memory_space<vmem>>
    %dma_start3A_24 = arith.constant 0 : i32
    %dma_start3A_25 = arith.constant 0 : i32
    %dma_start3A_26 = tpu.memref_slice %arg19[%dma_start3A_24, %dma_start3A_25] : memref<10000x64xi32, #tpu.memory_space<vmem_shared>> -> memref<10000x64xi32, #tpu.memory_space<vmem_shared>>
    tpu.enqueue_indirect_dma source(%dma_start3A_26 : memref<10000x64xi32, #tpu.memory_space<vmem_shared>>) target(%arg11 : memref<80x64xi32, #tpu.memory_space<vmem>>) offsets(%dma_start3A_23 : memref<80xi32, #tpu.memory_space<vmem>>) semaphore(%arg23 : memref<!tpu.dma_semaphore, #tpu.memory_space<semaphore_mem>>)
    %dma_start3A_27 = arith.constant 160 : i32
    %dma_start3A_28 = tpu.memref_slice %arg6[%dma_start3A_27] : memref<10000xi32, #tpu.memory_space<vmem>> -> memref<80xi32, #tpu.memory_space<vmem>>
    %dma_start3A_29 = arith.constant 0 : i32
    %dma_start3A_30 = arith.constant 0 : i32
    %dma_start3A_31 = tpu.memref_slice %arg2[%dma_start3A_29, %dma_start3A_30] : memref<10000x64xi32, #tpu.memory_space<hbm>> -> memref<10000x64xi32, #tpu.memory_space<hbm>>
    tpu.enqueue_indirect_dma source(%dma_start3A_31 : memref<10000x64xi32, #tpu.memory_space<hbm>>) target(%arg12 : memref<80x64xi32, #tpu.memory_space<vmem>>) offsets(%dma_start3A_28 : memref<80xi32, #tpu.memory_space<vmem>>) semaphore(%arg24 : memref<!tpu.dma_semaphore, #tpu.memory_space<semaphore_mem>>)
    %dma_start3A_32 = arith.constant 160 : i32
    %dma_start3A_33 = tpu.memref_slice %arg7[%dma_start3A_32] : memref<10000xi32, #tpu.memory_space<vmem>> -> memref<80xi32, #tpu.memory_space<vmem>>
    %dma_start3A_34 = arith.constant 0 : i32
    %dma_start3A_35 = arith.constant 0 : i32
    %dma_start3A_36 = tpu.memref_slice %arg19[%dma_start3A_34, %dma_start3A_35] : memref<10000x64xi32, #tpu.memory_space<vmem_shared>> -> memref<10000x64xi32, #tpu.memory_space<vmem_shared>>
    tpu.enqueue_indirect_dma source(%dma_start3A_36 : memref<10000x64xi32, #tpu.memory_space<vmem_shared>>) target(%arg13 : memref<80x64xi32, #tpu.memory_space<vmem>>) offsets(%dma_start3A_33 : memref<80xi32, #tpu.memory_space<vmem>>) semaphore(%arg25 : memref<!tpu.dma_semaphore, #tpu.memory_space<semaphore_mem>>)
    %dma_start3A_37 = arith.constant 240 : i32
    %dma_start3A_38 = tpu.memref_slice %arg6[%dma_start3A_37] : memref<10000xi32, #tpu.memory_space<vmem>> -> memref<80xi32, #tpu.memory_space<vmem>>
    %dma_start3A_39 = arith.constant 0 : i32
    %dma_start3A_40 = arith.constant 0 : i32
    %dma_start3A_41 = tpu.memref_slice %arg2[%dma_start3A_39, %dma_start3A_40] : memref<10000x64xi32, #tpu.memory_space<hbm>> -> memref<10000x64xi32, #tpu.memory_space<hbm>>
    tpu.enqueue_indirect_dma source(%dma_start3A_41 : memref<10000x64xi32, #tpu.memory_space<hbm>>) target(%arg14 : memref<80x64xi32, #tpu.memory_space<vmem>>) offsets(%dma_start3A_38 : memref<80xi32, #tpu.memory_space<vmem>>) semaphore(%arg26 : memref<!tpu.dma_semaphore, #tpu.memory_space<semaphore_mem>>)
    %dma_start3A_42 = arith.constant 240 : i32
    %dma_start3A_43 = tpu.memref_slice %arg7[%dma_start3A_42] : memref<10000xi32, #tpu.memory_space<vmem>> -> memref<80xi32, #tpu.memory_space<vmem>>
    %dma_start3A_44 = arith.constant 0 : i32
    %dma_start3A_45 = arith.constant 0 : i32
    %dma_start3A_46 = tpu.memref_slice %arg19[%dma_start3A_44, %dma_start3A_45] : memref<10000x64xi32, #tpu.memory_space<vmem_shared>> -> memref<10000x64xi32, #tpu.memory_space<vmem_shared>>
    tpu.enqueue_indirect_dma source(%dma_start3A_46 : memref<10000x64xi32, #tpu.memory_space<vmem_shared>>) target(%arg15 : memref<80x64xi32, #tpu.memory_space<vmem>>) offsets(%dma_start3A_43 : memref<80xi32, #tpu.memory_space<vmem>>) semaphore(%arg27 : memref<!tpu.dma_semaphore, #tpu.memory_space<semaphore_mem>>)
    %dma_start3A_47 = arith.constant 320 : i32
    %dma_start3A_48 = tpu.memref_slice %arg6[%dma_start3A_47] : memref<10000xi32, #tpu.memory_space<vmem>> -> memref<80xi32, #tpu.memory_space<vmem>>
    %dma_start3A_49 = arith.constant 0 : i32
    %dma_start3A_50 = arith.constant 0 : i32
    %dma_start3A_51 = tpu.memref_slice %arg2[%dma_start3A_49, %dma_start3A_50] : memref<10000x64xi32, #tpu.memory_space<hbm>> -> memref<10000x64xi32, #tpu.memory_space<hbm>>
    tpu.enqueue_indirect_dma source(%dma_start3A_51 : memref<10000x64xi32, #tpu.memory_space<hbm>>) target(%arg16 : memref<80x64xi32, #tpu.memory_space<vmem>>) offsets(%dma_start3A_48 : memref<80xi32, #tpu.memory_space<vmem>>) semaphore(%arg28 : memref<!tpu.dma_semaphore, #tpu.memory_space<semaphore_mem>>)
    %dma_start3A_52 = arith.constant 320 : i32
    %dma_start3A_53 = tpu.memref_slice %arg7[%dma_start3A_52] : memref<10000xi32, #tpu.memory_space<vmem>> -> memref<80xi32, #tpu.memory_space<vmem>>
    %dma_start3A_54 = arith.constant 0 : i32
    %dma_start3A_55 = arith.constant 0 : i32
    %dma_start3A_56 = tpu.memref_slice %arg19[%dma_start3A_54, %dma_start3A_55] : memref<10000x64xi32, #tpu.memory_space<vmem_shared>> -> memref<10000x64xi32, #tpu.memory_space<vmem_shared>>
    tpu.enqueue_indirect_dma source(%dma_start3A_56 : memref<10000x64xi32, #tpu.memory_space<vmem_shared>>) target(%arg17 : memref<80x64xi32, #tpu.memory_space<vmem>>) offsets(%dma_start3A_53 : memref<80xi32, #tpu.memory_space<vmem>>) semaphore(%arg29 : memref<!tpu.dma_semaphore, #tpu.memory_space<semaphore_mem>>)
    %scan3A = arith.constant 0 : i32
    %scan3A_57 = arith.constant 0 : i32
    %scan3A_58 = arith.constant 25 : i32
    %scan3A_59 = arith.addi %scan3A_57, %scan3A_58 : i32
    %scan3A_60 = arith.constant 1 : i32
    scf.for %scan3A_64 = %scan3A_57 to %scan3A_59 step %scan3A_60  : i32 {
      %mul3A_65 = arith.constant 5 : i32
      %mul3A_66 = arith.muli %mul3A_65, %scan3A_64 : i32
      %add3A_67 = arith.constant 0 : i32
      %add3A_68 = arith.addi %mul3A_66, %add3A_67 : i32
      %dma_wait3A = arith.constant 0 : i32
      %dma_wait3A_69 = arith.constant 0 : i32
      %dma_wait3A_70 = tpu.memref_slice %arg2[%dma_wait3A, %dma_wait3A_69] : memref<10000x64xi32, #tpu.memory_space<hbm>> -> memref<80x64xi32, #tpu.memory_space<hbm>>
      %dma_wait3A_71 = arith.constant 0 : i32
      %dma_wait3A_72 = arith.constant 0 : i32
      %dma_wait3A_73 = tpu.memref_slice %arg2[%dma_wait3A_71, %dma_wait3A_72] : memref<10000x64xi32, #tpu.memory_space<hbm>> -> memref<80x64xi32, #tpu.memory_space<hbm>>
      tpu.wait_dma2 semaphore(%arg20 : memref<!tpu.dma_semaphore, #tpu.memory_space<semaphore_mem>>) src(%dma_wait3A_73 : memref<80x64xi32, #tpu.memory_space<hbm>>) dst(%arg8 : memref<80x64xi32, #tpu.memory_space<vmem>>)
      %dma_wait3A_74 = arith.constant 0 : i32
      %dma_wait3A_75 = arith.constant 0 : i32
      %dma_wait3A_76 = tpu.memref_slice %arg2[%dma_wait3A_74, %dma_wait3A_75] : memref<10000x64xi32, #tpu.memory_space<hbm>> -> memref<80x64xi32, #tpu.memory_space<hbm>>
      %dma_wait3A_77 = arith.constant 0 : i32
      %dma_wait3A_78 = arith.constant 0 : i32
      %dma_wait3A_79 = tpu.memref_slice %arg2[%dma_wait3A_77, %dma_wait3A_78] : memref<10000x64xi32, #tpu.memory_space<hbm>> -> memref<80x64xi32, #tpu.memory_space<hbm>>
      tpu.wait_dma2 semaphore(%arg21 : memref<!tpu.dma_semaphore, #tpu.memory_space<semaphore_mem>>) src(%dma_wait3A_79 : memref<80x64xi32, #tpu.memory_space<hbm>>) dst(%arg9 : memref<80x64xi32, #tpu.memory_space<vmem>>)
      %mul3A_80 = arith.constant 80 : i32
      %mul3A_81 = arith.muli %add3A_68, %mul3A_80 : i32
      %parallel_loop3A_82 = arith.constant 0 : i32
      %parallel_loop3A_83 = arith.constant 80 : i32
      %parallel_loop3A_84 = arith.constant 1 : i32
      scf.for %parallel_loop3A_203 = %parallel_loop3A_82 to %parallel_loop3A_83 step %parallel_loop3A_84  : i32 {
        %parallel_loop3A_204 = arith.index_cast %parallel_loop3A_203 : i32 to index
        %parallel_loop3A_205 = arith.constant 0 : index
        %parallel_loop3A_206 = tpu.vector_load %arg8[%parallel_loop3A_204, %parallel_loop3A_205] {strides = array<i32>} : memref<80x64xi32, #tpu.memory_space<vmem>>, vector<16xi32>,
        %parallel_loop3A_207 = vector.bitcast %parallel_loop3A_206 : vector<16xi32> to vector<32xbf16>
        %parallel_loop3A_208 = arith.index_cast %parallel_loop3A_203 : i32 to index
        %parallel_loop3A_209 = arith.constant 0 : index
        %parallel_loop3A_210 = tpu.vector_load %arg9[%parallel_loop3A_208, %parallel_loop3A_209] {strides = array<i32>} : memref<80x64xi32, #tpu.memory_space<vmem>>, vector<16xi32>,
        %parallel_loop3A_211 = vector.bitcast %parallel_loop3A_210 : vector<16xi32> to vector<32xbf16>
        %parallel_loop3A_212 = arith.subf %parallel_loop3A_207, %parallel_loop3A_211 : vector<32xbf16>
        %parallel_loop3A_213 = arith.mulf %parallel_loop3A_212, %parallel_loop3A_212 : vector<32xbf16>
        %parallel_loop3A_214 = arith.index_cast %parallel_loop3A_203 : i32 to index
        %parallel_loop3A_215 = arith.constant 16 : index
        %parallel_loop3A_216 = tpu.vector_load %arg8[%parallel_loop3A_214, %parallel_loop3A_215] {strides = array<i32>} : memref<80x64xi32, #tpu.memory_space<vmem>>, vector<16xi32>,
        %parallel_loop3A_217 = vector.bitcast %parallel_loop3A_216 : vector<16xi32> to vector<32xbf16>
        %parallel_loop3A_218 = arith.index_cast %parallel_loop3A_203 : i32 to index
        %parallel_loop3A_219 = arith.constant 16 : index
        %parallel_loop3A_220 = tpu.vector_load %arg9[%parallel_loop3A_218, %parallel_loop3A_219] {strides = array<i32>} : memref<80x64xi32, #tpu.memory_space<vmem>>, vector<16xi32>,
        %parallel_loop3A_221 = vector.bitcast %parallel_loop3A_220 : vector<16xi32> to vector<32xbf16>
        %parallel_loop3A_222 = arith.subf %parallel_loop3A_217, %parallel_loop3A_221 : vector<32xbf16>
        %parallel_loop3A_223 = arith.mulf %parallel_loop3A_222, %parallel_loop3A_222 : vector<32xbf16>
        %parallel_loop3A_224 = arith.index_cast %parallel_loop3A_203 : i32 to index
        %parallel_loop3A_225 = arith.constant 32 : index
        %parallel_loop3A_226 = tpu.vector_load %arg8[%parallel_loop3A_224, %parallel_loop3A_225] {strides = array<i32>} : memref<80x64xi32, #tpu.memory_space<vmem>>, vector<16xi32>,
        %parallel_loop3A_227 = vector.bitcast %parallel_loop3A_226 : vector<16xi32> to vector<32xbf16>
        %parallel_loop3A_228 = arith.index_cast %parallel_loop3A_203 : i32 to index
        %parallel_loop3A_229 = arith.constant 32 : index
        %parallel_loop3A_230 = tpu.vector_load %arg9[%parallel_loop3A_228, %parallel_loop3A_229] {strides = array<i32>} : memref<80x64xi32, #tpu.memory_space<vmem>>, vector<16xi32>,
        %parallel_loop3A_231 = vector.bitcast %parallel_loop3A_230 : vector<16xi32> to vector<32xbf16>
        %parallel_loop3A_232 = arith.subf %parallel_loop3A_227, %parallel_loop3A_231 : vector<32xbf16>
        %parallel_loop3A_233 = arith.mulf %parallel_loop3A_232, %parallel_loop3A_232 : vector<32xbf16>
        %parallel_loop3A_234 = arith.addf %parallel_loop3A_213, %parallel_loop3A_233 : vector<32xbf16>
        %parallel_loop3A_235 = arith.index_cast %parallel_loop3A_203 : i32 to index
        %parallel_loop3A_236 = arith.constant 48 : index
        %parallel_loop3A_237 = tpu.vector_load %arg8[%parallel_loop3A_235, %parallel_loop3A_236] {strides = array<i32>} : memref<80x64xi32, #tpu.memory_space<vmem>>, vector<16xi32>,
        %parallel_loop3A_238 = vector.bitcast %parallel_loop3A_237 : vector<16xi32> to vector<32xbf16>
        %parallel_loop3A_239 = arith.index_cast %parallel_loop3A_203 : i32 to index
        %parallel_loop3A_240 = arith.constant 48 : index
        %parallel_loop3A_241 = tpu.vector_load %arg9[%parallel_loop3A_239, %parallel_loop3A_240] {strides = array<i32>} : memref<80x64xi32, #tpu.memory_space<vmem>>, vector<16xi32>,
        %parallel_loop3A_242 = vector.bitcast %parallel_loop3A_241 : vector<16xi32> to vector<32xbf16>
        %parallel_loop3A_243 = arith.subf %parallel_loop3A_238, %parallel_loop3A_242 : vector<32xbf16>
        %parallel_loop3A_244 = arith.mulf %parallel_loop3A_243, %parallel_loop3A_243 : vector<32xbf16>
        %parallel_loop3A_245 = arith.addf %parallel_loop3A_223, %parallel_loop3A_244 : vector<32xbf16>
        %parallel_loop3A_246 = tpu.unpack_subelements %parallel_loop3A_234, 0 {pack_format = #tpu.pack_format<interleaved>} : vector<32xbf16> -> vector<16xf32>
        %parallel_loop3A_247 = tpu.unpack_subelements %parallel_loop3A_234, 1 {pack_format = #tpu.pack_format<interleaved>} : vector<32xbf16> -> vector<16xf32>
        %parallel_loop3A_248 = tpu.unpack_subelements %parallel_loop3A_245, 0 {pack_format = #tpu.pack_format<interleaved>} : vector<32xbf16> -> vector<16xf32>
        %parallel_loop3A_249 = tpu.unpack_subelements %parallel_loop3A_245, 1 {pack_format = #tpu.pack_format<interleaved>} : vector<32xbf16> -> vector<16xf32>
        %parallel_loop3A_250 = arith.addf %parallel_loop3A_246, %parallel_loop3A_247 : vector<16xf32>
        %parallel_loop3A_251 = arith.addf %parallel_loop3A_248, %parallel_loop3A_249 : vector<16xf32>
        %parallel_loop3A_252 = arith.addf %parallel_loop3A_250, %parallel_loop3A_251 : vector<16xf32>
        %parallel_loop3A_253 = arith.constant true
        %parallel_loop3A_254 = vector.broadcast %parallel_loop3A_253 : i1 to vector<16xi1>
        %parallel_loop3A_255 = tpu.scan <sum>, %parallel_loop3A_252 masked %parallel_loop3A_254 : vector<16xf32>, vector<16xi1> -> vector<16xf32>
        %parallel_loop3A_256 = arith.addi %mul3A_81, %parallel_loop3A_203 : i32
        %parallel_loop3A_257 = vector.broadcast %parallel_loop3A_256 : i32 to vector<16xi32>
        tpu.vector_store_idx %arg18[%parallel_loop3A_257], %parallel_loop3A_255 masked %eq3A_7 : memref<10000xf32, #tpu.memory_space<vmem>>[vector<16xi32>], vector<16xf32>, vector<16xi1>
      } {sc.loop_unroll_factor = 4 : i64, sc.parallel_access}
      %add3A_85 = arith.constant 5 : i32
      %add3A_86 = arith.addi %add3A_68, %add3A_85 : i32
      %lt3A = arith.constant 125 : i32
      %lt3A_87 = arith.cmpi slt, %add3A_86, %lt3A : i32
      %convert_element_type3A_88 = arith.extui %lt3A_87 : i1 to i32
      %cond3A_89 = arith.constant 0 : i32
      %cond3A_90 = arith.cmpi ne, %convert_element_type3A_88, %cond3A_89 : i32
      scf.if %cond3A_90 {
        %add3A_203 = arith.constant 5 : i32
        %add3A_204 = arith.addi %add3A_68, %add3A_203 : i32
        %mul3A_205 = arith.constant 80 : i32
        %mul3A_206 = arith.muli %add3A_204, %mul3A_205 : i32
        %dma_start3A_207 = tpu.memref_slice %arg6[%mul3A_206] : memref<10000xi32, #tpu.memory_space<vmem>> -> memref<80xi32, #tpu.memory_space<vmem>>
        %dma_start3A_208 = arith.constant 0 : i32
        %dma_start3A_209 = arith.constant 0 : i32
        %dma_start3A_210 = tpu.memref_slice %arg2[%dma_start3A_208, %dma_start3A_209] : memref<10000x64xi32, #tpu.memory_space<hbm>> -> memref<10000x64xi32, #tpu.memory_space<hbm>>
        tpu.enqueue_indirect_dma source(%dma_start3A_210 : memref<10000x64xi32, #tpu.memory_space<hbm>>) target(%arg8 : memref<80x64xi32, #tpu.memory_space<vmem>>) offsets(%dma_start3A_207 : memref<80xi32, #tpu.memory_space<vmem>>) semaphore(%arg20 : memref<!tpu.dma_semaphore, #tpu.memory_space<semaphore_mem>>)
        %mul3A_211 = arith.constant 80 : i32
        %mul3A_212 = arith.muli %add3A_204, %mul3A_211 : i32
        %dma_start3A_213 = tpu.memref_slice %arg7[%mul3A_212] : memref<10000xi32, #tpu.memory_space<vmem>> -> memref<80xi32, #tpu.memory_space<vmem>>
        %dma_start3A_214 = arith.constant 0 : i32
        %dma_start3A_215 = arith.constant 0 : i32
        %dma_start3A_216 = tpu.memref_slice %arg19[%dma_start3A_214, %dma_start3A_215] : memref<10000x64xi32, #tpu.memory_space<vmem_shared>> -> memref<10000x64xi32, #tpu.memory_space<vmem_shared>>
        tpu.enqueue_indirect_dma source(%dma_start3A_216 : memref<10000x64xi32, #tpu.memory_space<vmem_shared>>) target(%arg9 : memref<80x64xi32, #tpu.memory_space<vmem>>) offsets(%dma_start3A_213 : memref<80xi32, #tpu.memory_space<vmem>>) semaphore(%arg21 : memref<!tpu.dma_semaphore, #tpu.memory_space<semaphore_mem>>)
      } else {
      }
      %mul3A_91 = arith.constant 5 : i32
      %mul3A_92 = arith.muli %mul3A_91, %scan3A_64 : i32
      %add3A_93 = arith.constant 1 : i32
      %add3A_94 = arith.addi %mul3A_92, %add3A_93 : i32
      %dma_wait3A_95 = arith.constant 0 : i32
      %dma_wait3A_96 = arith.constant 0 : i32
      %dma_wait3A_97 = tpu.memref_slice %arg2[%dma_wait3A_95, %dma_wait3A_96] : memref<10000x64xi32, #tpu.memory_space<hbm>> -> memref<80x64xi32, #tpu.memory_space<hbm>>
      %dma_wait3A_98 = arith.constant 0 : i32
      %dma_wait3A_99 = arith.constant 0 : i32
      %dma_wait3A_100 = tpu.memref_slice %arg2[%dma_wait3A_98, %dma_wait3A_99] : memref<10000x64xi32, #tpu.memory_space<hbm>> -> memref<80x64xi32, #tpu.memory_space<hbm>>
      tpu.wait_dma2 semaphore(%arg22 : memref<!tpu.dma_semaphore, #tpu.memory_space<semaphore_mem>>) src(%dma_wait3A_100 : memref<80x64xi32, #tpu.memory_space<hbm>>) dst(%arg10 : memref<80x64xi32, #tpu.memory_space<vmem>>)
      %dma_wait3A_101 = arith.constant 0 : i32
      %dma_wait3A_102 = arith.constant 0 : i32
      %dma_wait3A_103 = tpu.memref_slice %arg2[%dma_wait3A_101, %dma_wait3A_102] : memref<10000x64xi32, #tpu.memory_space<hbm>> -> memref<80x64xi32, #tpu.memory_space<hbm>>
      %dma_wait3A_104 = arith.constant 0 : i32
      %dma_wait3A_105 = arith.constant 0 : i32
      %dma_wait3A_106 = tpu.memref_slice %arg2[%dma_wait3A_104, %dma_wait3A_105] : memref<10000x64xi32, #tpu.memory_space<hbm>> -> memref<80x64xi32, #tpu.memory_space<hbm>>
      tpu.wait_dma2 semaphore(%arg23 : memref<!tpu.dma_semaphore, #tpu.memory_space<semaphore_mem>>) src(%dma_wait3A_106 : memref<80x64xi32, #tpu.memory_space<hbm>>) dst(%arg11 : memref<80x64xi32, #tpu.memory_space<vmem>>)
      %mul3A_107 = arith.constant 80 : i32
      %mul3A_108 = arith.muli %add3A_94, %mul3A_107 : i32
      %parallel_loop3A_109 = arith.constant 0 : i32
      %parallel_loop3A_110 = arith.constant 80 : i32
      %parallel_loop3A_111 = arith.constant 1 : i32
      scf.for %parallel_loop3A_203 = %parallel_loop3A_109 to %parallel_loop3A_110 step %parallel_loop3A_111  : i32 {
        %parallel_loop3A_204 = arith.index_cast %parallel_loop3A_203 : i32 to index
        %parallel_loop3A_205 = arith.constant 0 : index
        %parallel_loop3A_206 = tpu.vector_load %arg10[%parallel_loop3A_204, %parallel_loop3A_205] {strides = array<i32>} : memref<80x64xi32, #tpu.memory_space<vmem>>, vector<16xi32>,
        %parallel_loop3A_207 = vector.bitcast %parallel_loop3A_206 : vector<16xi32> to vector<32xbf16>
        %parallel_loop3A_208 = arith.index_cast %parallel_loop3A_203 : i32 to index
        %parallel_loop3A_209 = arith.constant 0 : index
        %parallel_loop3A_210 = tpu.vector_load %arg11[%parallel_loop3A_208, %parallel_loop3A_209] {strides = array<i32>} : memref<80x64xi32, #tpu.memory_space<vmem>>, vector<16xi32>,
        %parallel_loop3A_211 = vector.bitcast %parallel_loop3A_210 : vector<16xi32> to vector<32xbf16>
        %parallel_loop3A_212 = arith.subf %parallel_loop3A_207, %parallel_loop3A_211 : vector<32xbf16>
        %parallel_loop3A_213 = arith.mulf %parallel_loop3A_212, %parallel_loop3A_212 : vector<32xbf16>
        %parallel_loop3A_214 = arith.index_cast %parallel_loop3A_203 : i32 to index
        %parallel_loop3A_215 = arith.constant 16 : index
        %parallel_loop3A_216 = tpu.vector_load %arg10[%parallel_loop3A_214, %parallel_loop3A_215] {strides = array<i32>} : memref<80x64xi32, #tpu.memory_space<vmem>>, vector<16xi32>,
        %parallel_loop3A_217 = vector.bitcast %parallel_loop3A_216 : vector<16xi32> to vector<32xbf16>
        %parallel_loop3A_218 = arith.index_cast %parallel_loop3A_203 : i32 to index
        %parallel_loop3A_219 = arith.constant 16 : index
        %parallel_loop3A_220 = tpu.vector_load %arg11[%parallel_loop3A_218, %parallel_loop3A_219] {strides = array<i32>} : memref<80x64xi32, #tpu.memory_space<vmem>>, vector<16xi32>,
        %parallel_loop3A_221 = vector.bitcast %parallel_loop3A_220 : vector<16xi32> to vector<32xbf16>
        %parallel_loop3A_222 = arith.subf %parallel_loop3A_217, %parallel_loop3A_221 : vector<32xbf16>
        %parallel_loop3A_223 = arith.mulf %parallel_loop3A_222, %parallel_loop3A_222 : vector<32xbf16>
        %parallel_loop3A_224 = arith.index_cast %parallel_loop3A_203 : i32 to index
        %parallel_loop3A_225 = arith.constant 32 : index
        %parallel_loop3A_226 = tpu.vector_load %arg10[%parallel_loop3A_224, %parallel_loop3A_225] {strides = array<i32>} : memref<80x64xi32, #tpu.memory_space<vmem>>, vector<16xi32>,
        %parallel_loop3A_227 = vector.bitcast %parallel_loop3A_226 : vector<16xi32> to vector<32xbf16>
        %parallel_loop3A_228 = arith.index_cast %parallel_loop3A_203 : i32 to index
        %parallel_loop3A_229 = arith.constant 32 : index
        %parallel_loop3A_230 = tpu.vector_load %arg11[%parallel_loop3A_228, %parallel_loop3A_229] {strides = array<i32>} : memref<80x64xi32, #tpu.memory_space<vmem>>, vector<16xi32>,
        %parallel_loop3A_231 = vector.bitcast %parallel_loop3A_230 : vector<16xi32> to vector<32xbf16>
        %parallel_loop3A_232 = arith.subf %parallel_loop3A_227, %parallel_loop3A_231 : vector<32xbf16>
        %parallel_loop3A_233 = arith.mulf %parallel_loop3A_232, %parallel_loop3A_232 : vector<32xbf16>
        %parallel_loop3A_234 = arith.addf %parallel_loop3A_213, %parallel_loop3A_233 : vector<32xbf16>
        %parallel_loop3A_235 = arith.index_cast %parallel_loop3A_203 : i32 to index
        %parallel_loop3A_236 = arith.constant 48 : index
        %parallel_loop3A_237 = tpu.vector_load %arg10[%parallel_loop3A_235, %parallel_loop3A_236] {strides = array<i32>} : memref<80x64xi32, #tpu.memory_space<vmem>>, vector<16xi32>,
        %parallel_loop3A_238 = vector.bitcast %parallel_loop3A_237 : vector<16xi32> to vector<32xbf16>
        %parallel_loop3A_239 = arith.index_cast %parallel_loop3A_203 : i32 to index
        %parallel_loop3A_240 = arith.constant 48 : index
        %parallel_loop3A_241 = tpu.vector_load %arg11[%parallel_loop3A_239, %parallel_loop3A_240] {strides = array<i32>} : memref<80x64xi32, #tpu.memory_space<vmem>>, vector<16xi32>,
        %parallel_loop3A_242 = vector.bitcast %parallel_loop3A_241 : vector<16xi32> to vector<32xbf16>
        %parallel_loop3A_243 = arith.subf %parallel_loop3A_238, %parallel_loop3A_242 : vector<32xbf16>
        %parallel_loop3A_244 = arith.mulf %parallel_loop3A_243, %parallel_loop3A_243 : vector<32xbf16>
        %parallel_loop3A_245 = arith.addf %parallel_loop3A_223, %parallel_loop3A_244 : vector<32xbf16>
        %parallel_loop3A_246 = tpu.unpack_subelements %parallel_loop3A_234, 0 {pack_format = #tpu.pack_format<interleaved>} : vector<32xbf16> -> vector<16xf32>
        %parallel_loop3A_247 = tpu.unpack_subelements %parallel_loop3A_234, 1 {pack_format = #tpu.pack_format<interleaved>} : vector<32xbf16> -> vector<16xf32>
        %parallel_loop3A_248 = tpu.unpack_subelements %parallel_loop3A_245, 0 {pack_format = #tpu.pack_format<interleaved>} : vector<32xbf16> -> vector<16xf32>
        %parallel_loop3A_249 = tpu.unpack_subelements %parallel_loop3A_245, 1 {pack_format = #tpu.pack_format<interleaved>} : vector<32xbf16> -> vector<16xf32>
        %parallel_loop3A_250 = arith.addf %parallel_loop3A_246, %parallel_loop3A_247 : vector<16xf32>
        %parallel_loop3A_251 = arith.addf %parallel_loop3A_248, %parallel_loop3A_249 : vector<16xf32>
        %parallel_loop3A_252 = arith.addf %parallel_loop3A_250, %parallel_loop3A_251 : vector<16xf32>
        %parallel_loop3A_253 = arith.constant true
        %parallel_loop3A_254 = vector.broadcast %parallel_loop3A_253 : i1 to vector<16xi1>
        %parallel_loop3A_255 = tpu.scan <sum>, %parallel_loop3A_252 masked %parallel_loop3A_254 : vector<16xf32>, vector<16xi1> -> vector<16xf32>
        %parallel_loop3A_256 = arith.addi %mul3A_108, %parallel_loop3A_203 : i32
        %parallel_loop3A_257 = vector.broadcast %parallel_loop3A_256 : i32 to vector<16xi32>
        tpu.vector_store_idx %arg18[%parallel_loop3A_257], %parallel_loop3A_255 masked %eq3A_7 : memref<10000xf32, #tpu.memory_space<vmem>>[vector<16xi32>], vector<16xf32>, vector<16xi1>
      } {sc.loop_unroll_factor = 4 : i64, sc.parallel_access}
      %add3A_112 = arith.constant 5 : i32
      %add3A_113 = arith.addi %add3A_94, %add3A_112 : i32
      %lt3A_114 = arith.constant 125 : i32
      %lt3A_115 = arith.cmpi slt, %add3A_113, %lt3A_114 : i32
      %convert_element_type3A_116 = arith.extui %lt3A_115 : i1 to i32
      %cond3A_117 = arith.constant 0 : i32
      %cond3A_118 = arith.cmpi ne, %convert_element_type3A_116, %cond3A_117 : i32
      scf.if %cond3A_118 {
        %add3A_203 = arith.constant 5 : i32
        %add3A_204 = arith.addi %add3A_94, %add3A_203 : i32
        %mul3A_205 = arith.constant 80 : i32
        %mul3A_206 = arith.muli %add3A_204, %mul3A_205 : i32
        %dma_start3A_207 = tpu.memref_slice %arg6[%mul3A_206] : memref<10000xi32, #tpu.memory_space<vmem>> -> memref<80xi32, #tpu.memory_space<vmem>>
        %dma_start3A_208 = arith.constant 0 : i32
        %dma_start3A_209 = arith.constant 0 : i32
        %dma_start3A_210 = tpu.memref_slice %arg2[%dma_start3A_208, %dma_start3A_209] : memref<10000x64xi32, #tpu.memory_space<hbm>> -> memref<10000x64xi32, #tpu.memory_space<hbm>>
        tpu.enqueue_indirect_dma source(%dma_start3A_210 : memref<10000x64xi32, #tpu.memory_space<hbm>>) target(%arg10 : memref<80x64xi32, #tpu.memory_space<vmem>>) offsets(%dma_start3A_207 : memref<80xi32, #tpu.memory_space<vmem>>) semaphore(%arg22 : memref<!tpu.dma_semaphore, #tpu.memory_space<semaphore_mem>>)
        %mul3A_211 = arith.constant 80 : i32
        %mul3A_212 = arith.muli %add3A_204, %mul3A_211 : i32
        %dma_start3A_213 = tpu.memref_slice %arg7[%mul3A_212] : memref<10000xi32, #tpu.memory_space<vmem>> -> memref<80xi32, #tpu.memory_space<vmem>>
        %dma_start3A_214 = arith.constant 0 : i32
        %dma_start3A_215 = arith.constant 0 : i32
        %dma_start3A_216 = tpu.memref_slice %arg19[%dma_start3A_214, %dma_start3A_215] : memref<10000x64xi32, #tpu.memory_space<vmem_shared>> -> memref<10000x64xi32, #tpu.memory_space<vmem_shared>>
        tpu.enqueue_indirect_dma source(%dma_start3A_216 : memref<10000x64xi32, #tpu.memory_space<vmem_shared>>) target(%arg11 : memref<80x64xi32, #tpu.memory_space<vmem>>) offsets(%dma_start3A_213 : memref<80xi32, #tpu.memory_space<vmem>>) semaphore(%arg23 : memref<!tpu.dma_semaphore, #tpu.memory_space<semaphore_mem>>)
      } else {
      }
      %mul3A_119 = arith.constant 5 : i32
      %mul3A_120 = arith.muli %mul3A_119, %scan3A_64 : i32
      %add3A_121 = arith.constant 2 : i32
      %add3A_122 = arith.addi %mul3A_120, %add3A_121 : i32
      %dma_wait3A_123 = arith.constant 0 : i32
      %dma_wait3A_124 = arith.constant 0 : i32
      %dma_wait3A_125 = tpu.memref_slice %arg2[%dma_wait3A_123, %dma_wait3A_124] : memref<10000x64xi32, #tpu.memory_space<hbm>> -> memref<80x64xi32, #tpu.memory_space<hbm>>
      %dma_wait3A_126 = arith.constant 0 : i32
      %dma_wait3A_127 = arith.constant 0 : i32
      %dma_wait3A_128 = tpu.memref_slice %arg2[%dma_wait3A_126, %dma_wait3A_127] : memref<10000x64xi32, #tpu.memory_space<hbm>> -> memref<80x64xi32, #tpu.memory_space<hbm>>
      tpu.wait_dma2 semaphore(%arg24 : memref<!tpu.dma_semaphore, #tpu.memory_space<semaphore_mem>>) src(%dma_wait3A_128 : memref<80x64xi32, #tpu.memory_space<hbm>>) dst(%arg12 : memref<80x64xi32, #tpu.memory_space<vmem>>)
      %dma_wait3A_129 = arith.constant 0 : i32
      %dma_wait3A_130 = arith.constant 0 : i32
      %dma_wait3A_131 = tpu.memref_slice %arg2[%dma_wait3A_129, %dma_wait3A_130] : memref<10000x64xi32, #tpu.memory_space<hbm>> -> memref<80x64xi32, #tpu.memory_space<hbm>>
      %dma_wait3A_132 = arith.constant 0 : i32
      %dma_wait3A_133 = arith.constant 0 : i32
      %dma_wait3A_134 = tpu.memref_slice %arg2[%dma_wait3A_132, %dma_wait3A_133] : memref<10000x64xi32, #tpu.memory_space<hbm>> -> memref<80x64xi32, #tpu.memory_space<hbm>>
      tpu.wait_dma2 semaphore(%arg25 : memref<!tpu.dma_semaphore, #tpu.memory_space<semaphore_mem>>) src(%dma_wait3A_134 : memref<80x64xi32, #tpu.memory_space<hbm>>) dst(%arg13 : memref<80x64xi32, #tpu.memory_space<vmem>>)
      %mul3A_135 = arith.constant 80 : i32
      %mul3A_136 = arith.muli %add3A_122, %mul3A_135 : i32
      %parallel_loop3A_137 = arith.constant 0 : i32
      %parallel_loop3A_138 = arith.constant 80 : i32
      %parallel_loop3A_139 = arith.constant 1 : i32
      scf.for %parallel_loop3A_203 = %parallel_loop3A_137 to %parallel_loop3A_138 step %parallel_loop3A_139  : i32 {
        %parallel_loop3A_204 = arith.index_cast %parallel_loop3A_203 : i32 to index
        %parallel_loop3A_205 = arith.constant 0 : index
        %parallel_loop3A_206 = tpu.vector_load %arg12[%parallel_loop3A_204, %parallel_loop3A_205] {strides = array<i32>} : memref<80x64xi32, #tpu.memory_space<vmem>>, vector<16xi32>,
        %parallel_loop3A_207 = vector.bitcast %parallel_loop3A_206 : vector<16xi32> to vector<32xbf16>
        %parallel_loop3A_208 = arith.index_cast %parallel_loop3A_203 : i32 to index
        %parallel_loop3A_209 = arith.constant 0 : index
        %parallel_loop3A_210 = tpu.vector_load %arg13[%parallel_loop3A_208, %parallel_loop3A_209] {strides = array<i32>} : memref<80x64xi32, #tpu.memory_space<vmem>>, vector<16xi32>,
        %parallel_loop3A_211 = vector.bitcast %parallel_loop3A_210 : vector<16xi32> to vector<32xbf16>
        %parallel_loop3A_212 = arith.subf %parallel_loop3A_207, %parallel_loop3A_211 : vector<32xbf16>
        %parallel_loop3A_213 = arith.mulf %parallel_loop3A_212, %parallel_loop3A_212 : vector<32xbf16>
        %parallel_loop3A_214 = arith.index_cast %parallel_loop3A_203 : i32 to index
        %parallel_loop3A_215 = arith.constant 16 : index
        %parallel_loop3A_216 = tpu.vector_load %arg12[%parallel_loop3A_214, %parallel_loop3A_215] {strides = array<i32>} : memref<80x64xi32, #tpu.memory_space<vmem>>, vector<16xi32>,
        %parallel_loop3A_217 = vector.bitcast %parallel_loop3A_216 : vector<16xi32> to vector<32xbf16>
        %parallel_loop3A_218 = arith.index_cast %parallel_loop3A_203 : i32 to index
        %parallel_loop3A_219 = arith.constant 16 : index
        %parallel_loop3A_220 = tpu.vector_load %arg13[%parallel_loop3A_218, %parallel_loop3A_219] {strides = array<i32>} : memref<80x64xi32, #tpu.memory_space<vmem>>, vector<16xi32>,
        %parallel_loop3A_221 = vector.bitcast %parallel_loop3A_220 : vector<16xi32> to vector<32xbf16>
        %parallel_loop3A_222 = arith.subf %parallel_loop3A_217, %parallel_loop3A_221 : vector<32xbf16>
        %parallel_loop3A_223 = arith.mulf %parallel_loop3A_222, %parallel_loop3A_222 : vector<32xbf16>
        %parallel_loop3A_224 = arith.index_cast %parallel_loop3A_203 : i32 to index
        %parallel_loop3A_225 = arith.constant 32 : index
        %parallel_loop3A_226 = tpu.vector_load %arg12[%parallel_loop3A_224, %parallel_loop3A_225] {strides = array<i32>} : memref<80x64xi32, #tpu.memory_space<vmem>>, vector<16xi32>,
        %parallel_loop3A_227 = vector.bitcast %parallel_loop3A_226 : vector<16xi32> to vector<32xbf16>
        %parallel_loop3A_228 = arith.index_cast %parallel_loop3A_203 : i32 to index
        %parallel_loop3A_229 = arith.constant 32 : index
        %parallel_loop3A_230 = tpu.vector_load %arg13[%parallel_loop3A_228, %parallel_loop3A_229] {strides = array<i32>} : memref<80x64xi32, #tpu.memory_space<vmem>>, vector<16xi32>,
        %parallel_loop3A_231 = vector.bitcast %parallel_loop3A_230 : vector<16xi32> to vector<32xbf16>
        %parallel_loop3A_232 = arith.subf %parallel_loop3A_227, %parallel_loop3A_231 : vector<32xbf16>
        %parallel_loop3A_233 = arith.mulf %parallel_loop3A_232, %parallel_loop3A_232 : vector<32xbf16>
        %parallel_loop3A_234 = arith.addf %parallel_loop3A_213, %parallel_loop3A_233 : vector<32xbf16>
        %parallel_loop3A_235 = arith.index_cast %parallel_loop3A_203 : i32 to index
        %parallel_loop3A_236 = arith.constant 48 : index
        %parallel_loop3A_237 = tpu.vector_load %arg12[%parallel_loop3A_235, %parallel_loop3A_236] {strides = array<i32>} : memref<80x64xi32, #tpu.memory_space<vmem>>, vector<16xi32>,
        %parallel_loop3A_238 = vector.bitcast %parallel_loop3A_237 : vector<16xi32> to vector<32xbf16>
        %parallel_loop3A_239 = arith.index_cast %parallel_loop3A_203 : i32 to index
        %parallel_loop3A_240 = arith.constant 48 : index
        %parallel_loop3A_241 = tpu.vector_load %arg13[%parallel_loop3A_239, %parallel_loop3A_240] {strides = array<i32>} : memref<80x64xi32, #tpu.memory_space<vmem>>, vector<16xi32>,
        %parallel_loop3A_242 = vector.bitcast %parallel_loop3A_241 : vector<16xi32> to vector<32xbf16>
        %parallel_loop3A_243 = arith.subf %parallel_loop3A_238, %parallel_loop3A_242 : vector<32xbf16>
        %parallel_loop3A_244 = arith.mulf %parallel_loop3A_243, %parallel_loop3A_243 : vector<32xbf16>
        %parallel_loop3A_245 = arith.addf %parallel_loop3A_223, %parallel_loop3A_244 : vector<32xbf16>
        %parallel_loop3A_246 = tpu.unpack_subelements %parallel_loop3A_234, 0 {pack_format = #tpu.pack_format<interleaved>} : vector<32xbf16> -> vector<16xf32>
        %parallel_loop3A_247 = tpu.unpack_subelements %parallel_loop3A_234, 1 {pack_format = #tpu.pack_format<interleaved>} : vector<32xbf16> -> vector<16xf32>
        %parallel_loop3A_248 = tpu.unpack_subelements %parallel_loop3A_245, 0 {pack_format = #tpu.pack_format<interleaved>} : vector<32xbf16> -> vector<16xf32>
        %parallel_loop3A_249 = tpu.unpack_subelements %parallel_loop3A_245, 1 {pack_format = #tpu.pack_format<interleaved>} : vector<32xbf16> -> vector<16xf32>
        %parallel_loop3A_250 = arith.addf %parallel_loop3A_246, %parallel_loop3A_247 : vector<16xf32>
        %parallel_loop3A_251 = arith.addf %parallel_loop3A_248, %parallel_loop3A_249 : vector<16xf32>
        %parallel_loop3A_252 = arith.addf %parallel_loop3A_250, %parallel_loop3A_251 : vector<16xf32>
        %parallel_loop3A_253 = arith.constant true
        %parallel_loop3A_254 = vector.broadcast %parallel_loop3A_253 : i1 to vector<16xi1>
        %parallel_loop3A_255 = tpu.scan <sum>, %parallel_loop3A_252 masked %parallel_loop3A_254 : vector<16xf32>, vector<16xi1> -> vector<16xf32>
        %parallel_loop3A_256 = arith.addi %mul3A_136, %parallel_loop3A_203 : i32
        %parallel_loop3A_257 = vector.broadcast %parallel_loop3A_256 : i32 to vector<16xi32>
        tpu.vector_store_idx %arg18[%parallel_loop3A_257], %parallel_loop3A_255 masked %eq3A_7 : memref<10000xf32, #tpu.memory_space<vmem>>[vector<16xi32>], vector<16xf32>, vector<16xi1>
      } {sc.loop_unroll_factor = 4 : i64, sc.parallel_access}
      %add3A_140 = arith.constant 5 : i32
      %add3A_141 = arith.addi %add3A_122, %add3A_140 : i32
      %lt3A_142 = arith.constant 125 : i32
      %lt3A_143 = arith.cmpi slt, %add3A_141, %lt3A_142 : i32
      %convert_element_type3A_144 = arith.extui %lt3A_143 : i1 to i32
      %cond3A_145 = arith.constant 0 : i32
      %cond3A_146 = arith.cmpi ne, %convert_element_type3A_144, %cond3A_145 : i32
      scf.if %cond3A_146 {
        %add3A_203 = arith.constant 5 : i32
        %add3A_204 = arith.addi %add3A_122, %add3A_203 : i32
        %mul3A_205 = arith.constant 80 : i32
        %mul3A_206 = arith.muli %add3A_204, %mul3A_205 : i32
        %dma_start3A_207 = tpu.memref_slice %arg6[%mul3A_206] : memref<10000xi32, #tpu.memory_space<vmem>> -> memref<80xi32, #tpu.memory_space<vmem>>
        %dma_start3A_208 = arith.constant 0 : i32
        %dma_start3A_209 = arith.constant 0 : i32
        %dma_start3A_210 = tpu.memref_slice %arg2[%dma_start3A_208, %dma_start3A_209] : memref<10000x64xi32, #tpu.memory_space<hbm>> -> memref<10000x64xi32, #tpu.memory_space<hbm>>
        tpu.enqueue_indirect_dma source(%dma_start3A_210 : memref<10000x64xi32, #tpu.memory_space<hbm>>) target(%arg12 : memref<80x64xi32, #tpu.memory_space<vmem>>) offsets(%dma_start3A_207 : memref<80xi32, #tpu.memory_space<vmem>>) semaphore(%arg24 : memref<!tpu.dma_semaphore, #tpu.memory_space<semaphore_mem>>)
        %mul3A_211 = arith.constant 80 : i32
        %mul3A_212 = arith.muli %add3A_204, %mul3A_211 : i32
        %dma_start3A_213 = tpu.memref_slice %arg7[%mul3A_212] : memref<10000xi32, #tpu.memory_space<vmem>> -> memref<80xi32, #tpu.memory_space<vmem>>
        %dma_start3A_214 = arith.constant 0 : i32
        %dma_start3A_215 = arith.constant 0 : i32
        %dma_start3A_216 = tpu.memref_slice %arg19[%dma_start3A_214, %dma_start3A_215] : memref<10000x64xi32, #tpu.memory_space<vmem_shared>> -> memref<10000x64xi32, #tpu.memory_space<vmem_shared>>
        tpu.enqueue_indirect_dma source(%dma_start3A_216 : memref<10000x64xi32, #tpu.memory_space<vmem_shared>>) target(%arg13 : memref<80x64xi32, #tpu.memory_space<vmem>>) offsets(%dma_start3A_213 : memref<80xi32, #tpu.memory_space<vmem>>) semaphore(%arg25 : memref<!tpu.dma_semaphore, #tpu.memory_space<semaphore_mem>>)
      } else {
      }
      %mul3A_147 = arith.constant 5 : i32
      %mul3A_148 = arith.muli %mul3A_147, %scan3A_64 : i32
      %add3A_149 = arith.constant 3 : i32
      %add3A_150 = arith.addi %mul3A_148, %add3A_149 : i32
      %dma_wait3A_151 = arith.constant 0 : i32
      %dma_wait3A_152 = arith.constant 0 : i32
      %dma_wait3A_153 = tpu.memref_slice %arg2[%dma_wait3A_151, %dma_wait3A_152] : memref<10000x64xi32, #tpu.memory_space<hbm>> -> memref<80x64xi32, #tpu.memory_space<hbm>>
      %dma_wait3A_154 = arith.constant 0 : i32
      %dma_wait3A_155 = arith.constant 0 : i32
      %dma_wait3A_156 = tpu.memref_slice %arg2[%dma_wait3A_154, %dma_wait3A_155] : memref<10000x64xi32, #tpu.memory_space<hbm>> -> memref<80x64xi32, #tpu.memory_space<hbm>>
      tpu.wait_dma2 semaphore(%arg26 : memref<!tpu.dma_semaphore, #tpu.memory_space<semaphore_mem>>) src(%dma_wait3A_156 : memref<80x64xi32, #tpu.memory_space<hbm>>) dst(%arg14 : memref<80x64xi32, #tpu.memory_space<vmem>>)
      %dma_wait3A_157 = arith.constant 0 : i32
      %dma_wait3A_158 = arith.constant 0 : i32
      %dma_wait3A_159 = tpu.memref_slice %arg2[%dma_wait3A_157, %dma_wait3A_158] : memref<10000x64xi32, #tpu.memory_space<hbm>> -> memref<80x64xi32, #tpu.memory_space<hbm>>
      %dma_wait3A_160 = arith.constant 0 : i32
      %dma_wait3A_161 = arith.constant 0 : i32
      %dma_wait3A_162 = tpu.memref_slice %arg2[%dma_wait3A_160, %dma_wait3A_161] : memref<10000x64xi32, #tpu.memory_space<hbm>> -> memref<80x64xi32, #tpu.memory_space<hbm>>
      tpu.wait_dma2 semaphore(%arg27 : memref<!tpu.dma_semaphore, #tpu.memory_space<semaphore_mem>>) src(%dma_wait3A_162 : memref<80x64xi32, #tpu.memory_space<hbm>>) dst(%arg15 : memref<80x64xi32, #tpu.memory_space<vmem>>)
      %mul3A_163 = arith.constant 80 : i32
      %mul3A_164 = arith.muli %add3A_150, %mul3A_163 : i32
      %parallel_loop3A_165 = arith.constant 0 : i32
      %parallel_loop3A_166 = arith.constant 80 : i32
      %parallel_loop3A_167 = arith.constant 1 : i32
      scf.for %parallel_loop3A_203 = %parallel_loop3A_165 to %parallel_loop3A_166 step %parallel_loop3A_167  : i32 {
        %parallel_loop3A_204 = arith.index_cast %parallel_loop3A_203 : i32 to index
        %parallel_loop3A_205 = arith.constant 0 : index
        %parallel_loop3A_206 = tpu.vector_load %arg14[%parallel_loop3A_204, %parallel_loop3A_205] {strides = array<i32>} : memref<80x64xi32, #tpu.memory_space<vmem>>, vector<16xi32>,
        %parallel_loop3A_207 = vector.bitcast %parallel_loop3A_206 : vector<16xi32> to vector<32xbf16>
        %parallel_loop3A_208 = arith.index_cast %parallel_loop3A_203 : i32 to index
        %parallel_loop3A_209 = arith.constant 0 : index
        %parallel_loop3A_210 = tpu.vector_load %arg15[%parallel_loop3A_208, %parallel_loop3A_209] {strides = array<i32>} : memref<80x64xi32, #tpu.memory_space<vmem>>, vector<16xi32>,
        %parallel_loop3A_211 = vector.bitcast %parallel_loop3A_210 : vector<16xi32> to vector<32xbf16>
        %parallel_loop3A_212 = arith.subf %parallel_loop3A_207, %parallel_loop3A_211 : vector<32xbf16>
        %parallel_loop3A_213 = arith.mulf %parallel_loop3A_212, %parallel_loop3A_212 : vector<32xbf16>
        %parallel_loop3A_214 = arith.index_cast %parallel_loop3A_203 : i32 to index
        %parallel_loop3A_215 = arith.constant 16 : index
        %parallel_loop3A_216 = tpu.vector_load %arg14[%parallel_loop3A_214, %parallel_loop3A_215] {strides = array<i32>} : memref<80x64xi32, #tpu.memory_space<vmem>>, vector<16xi32>,
        %parallel_loop3A_217 = vector.bitcast %parallel_loop3A_216 : vector<16xi32> to vector<32xbf16>
        %parallel_loop3A_218 = arith.index_cast %parallel_loop3A_203 : i32 to index
        %parallel_loop3A_219 = arith.constant 16 : index
        %parallel_loop3A_220 = tpu.vector_load %arg15[%parallel_loop3A_218, %parallel_loop3A_219] {strides = array<i32>} : memref<80x64xi32, #tpu.memory_space<vmem>>, vector<16xi32>,
        %parallel_loop3A_221 = vector.bitcast %parallel_loop3A_220 : vector<16xi32> to vector<32xbf16>
        %parallel_loop3A_222 = arith.subf %parallel_loop3A_217, %parallel_loop3A_221 : vector<32xbf16>
        %parallel_loop3A_223 = arith.mulf %parallel_loop3A_222, %parallel_loop3A_222 : vector<32xbf16>
        %parallel_loop3A_224 = arith.index_cast %parallel_loop3A_203 : i32 to index
        %parallel_loop3A_225 = arith.constant 32 : index
        %parallel_loop3A_226 = tpu.vector_load %arg14[%parallel_loop3A_224, %parallel_loop3A_225] {strides = array<i32>} : memref<80x64xi32, #tpu.memory_space<vmem>>, vector<16xi32>,
        %parallel_loop3A_227 = vector.bitcast %parallel_loop3A_226 : vector<16xi32> to vector<32xbf16>
        %parallel_loop3A_228 = arith.index_cast %parallel_loop3A_203 : i32 to index
        %parallel_loop3A_229 = arith.constant 32 : index
        %parallel_loop3A_230 = tpu.vector_load %arg15[%parallel_loop3A_228, %parallel_loop3A_229] {strides = array<i32>} : memref<80x64xi32, #tpu.memory_space<vmem>>, vector<16xi32>,
        %parallel_loop3A_231 = vector.bitcast %parallel_loop3A_230 : vector<16xi32> to vector<32xbf16>
        %parallel_loop3A_232 = arith.subf %parallel_loop3A_227, %parallel_loop3A_231 : vector<32xbf16>
        %parallel_loop3A_233 = arith.mulf %parallel_loop3A_232, %parallel_loop3A_232 : vector<32xbf16>
        %parallel_loop3A_234 = arith.addf %parallel_loop3A_213, %parallel_loop3A_233 : vector<32xbf16>
        %parallel_loop3A_235 = arith.index_cast %parallel_loop3A_203 : i32 to index
        %parallel_loop3A_236 = arith.constant 48 : index
        %parallel_loop3A_237 = tpu.vector_load %arg14[%parallel_loop3A_235, %parallel_loop3A_236] {strides = array<i32>} : memref<80x64xi32, #tpu.memory_space<vmem>>, vector<16xi32>,
        %parallel_loop3A_238 = vector.bitcast %parallel_loop3A_237 : vector<16xi32> to vector<32xbf16>
        %parallel_loop3A_239 = arith.index_cast %parallel_loop3A_203 : i32 to index
        %parallel_loop3A_240 = arith.constant 48 : index
        %parallel_loop3A_241 = tpu.vector_load %arg15[%parallel_loop3A_239, %parallel_loop3A_240] {strides = array<i32>} : memref<80x64xi32, #tpu.memory_space<vmem>>, vector<16xi32>,
        %parallel_loop3A_242 = vector.bitcast %parallel_loop3A_241 : vector<16xi32> to vector<32xbf16>
        %parallel_loop3A_243 = arith.subf %parallel_loop3A_238, %parallel_loop3A_242 : vector<32xbf16>
        %parallel_loop3A_244 = arith.mulf %parallel_loop3A_243, %parallel_loop3A_243 : vector<32xbf16>
        %parallel_loop3A_245 = arith.addf %parallel_loop3A_223, %parallel_loop3A_244 : vector<32xbf16>
        %parallel_loop3A_246 = tpu.unpack_subelements %parallel_loop3A_234, 0 {pack_format = #tpu.pack_format<interleaved>} : vector<32xbf16> -> vector<16xf32>
        %parallel_loop3A_247 = tpu.unpack_subelements %parallel_loop3A_234, 1 {pack_format = #tpu.pack_format<interleaved>} : vector<32xbf16> -> vector<16xf32>
        %parallel_loop3A_248 = tpu.unpack_subelements %parallel_loop3A_245, 0 {pack_format = #tpu.pack_format<interleaved>} : vector<32xbf16> -> vector<16xf32>
        %parallel_loop3A_249 = tpu.unpack_subelements %parallel_loop3A_245, 1 {pack_format = #tpu.pack_format<interleaved>} : vector<32xbf16> -> vector<16xf32>
        %parallel_loop3A_250 = arith.addf %parallel_loop3A_246, %parallel_loop3A_247 : vector<16xf32>
        %parallel_loop3A_251 = arith.addf %parallel_loop3A_248, %parallel_loop3A_249 : vector<16xf32>
        %parallel_loop3A_252 = arith.addf %parallel_loop3A_250, %parallel_loop3A_251 : vector<16xf32>
        %parallel_loop3A_253 = arith.constant true
        %parallel_loop3A_254 = vector.broadcast %parallel_loop3A_253 : i1 to vector<16xi1>
        %parallel_loop3A_255 = tpu.scan <sum>, %parallel_loop3A_252 masked %parallel_loop3A_254 : vector<16xf32>, vector<16xi1> -> vector<16xf32>
        %parallel_loop3A_256 = arith.addi %mul3A_164, %parallel_loop3A_203 : i32
        %parallel_loop3A_257 = vector.broadcast %parallel_loop3A_256 : i32 to vector<16xi32>
        tpu.vector_store_idx %arg18[%parallel_loop3A_257], %parallel_loop3A_255 masked %eq3A_7 : memref<10000xf32, #tpu.memory_space<vmem>>[vector<16xi32>], vector<16xf32>, vector<16xi1>
      } {sc.loop_unroll_factor = 4 : i64, sc.parallel_access}
      %add3A_168 = arith.constant 5 : i32
      %add3A_169 = arith.addi %add3A_150, %add3A_168 : i32
      %lt3A_170 = arith.constant 125 : i32
      %lt3A_171 = arith.cmpi slt, %add3A_169, %lt3A_170 : i32
      %convert_element_type3A_172 = arith.extui %lt3A_171 : i1 to i32
      %cond3A_173 = arith.constant 0 : i32
      %cond3A_174 = arith.cmpi ne, %convert_element_type3A_172, %cond3A_173 : i32
      scf.if %cond3A_174 {
        %add3A_203 = arith.constant 5 : i32
        %add3A_204 = arith.addi %add3A_150, %add3A_203 : i32
        %mul3A_205 = arith.constant 80 : i32
        %mul3A_206 = arith.muli %add3A_204, %mul3A_205 : i32
        %dma_start3A_207 = tpu.memref_slice %arg6[%mul3A_206] : memref<10000xi32, #tpu.memory_space<vmem>> -> memref<80xi32, #tpu.memory_space<vmem>>
        %dma_start3A_208 = arith.constant 0 : i32
        %dma_start3A_209 = arith.constant 0 : i32
        %dma_start3A_210 = tpu.memref_slice %arg2[%dma_start3A_208, %dma_start3A_209] : memref<10000x64xi32, #tpu.memory_space<hbm>> -> memref<10000x64xi32, #tpu.memory_space<hbm>>
        tpu.enqueue_indirect_dma source(%dma_start3A_210 : memref<10000x64xi32, #tpu.memory_space<hbm>>) target(%arg14 : memref<80x64xi32, #tpu.memory_space<vmem>>) offsets(%dma_start3A_207 : memref<80xi32, #tpu.memory_space<vmem>>) semaphore(%arg26 : memref<!tpu.dma_semaphore, #tpu.memory_space<semaphore_mem>>)
        %mul3A_211 = arith.constant 80 : i32
        %mul3A_212 = arith.muli %add3A_204, %mul3A_211 : i32
        %dma_start3A_213 = tpu.memref_slice %arg7[%mul3A_212] : memref<10000xi32, #tpu.memory_space<vmem>> -> memref<80xi32, #tpu.memory_space<vmem>>
        %dma_start3A_214 = arith.constant 0 : i32
        %dma_start3A_215 = arith.constant 0 : i32
        %dma_start3A_216 = tpu.memref_slice %arg19[%dma_start3A_214, %dma_start3A_215] : memref<10000x64xi32, #tpu.memory_space<vmem_shared>> -> memref<10000x64xi32, #tpu.memory_space<vmem_shared>>
        tpu.enqueue_indirect_dma source(%dma_start3A_216 : memref<10000x64xi32, #tpu.memory_space<vmem_shared>>) target(%arg15 : memref<80x64xi32, #tpu.memory_space<vmem>>) offsets(%dma_start3A_213 : memref<80xi32, #tpu.memory_space<vmem>>) semaphore(%arg27 : memref<!tpu.dma_semaphore, #tpu.memory_space<semaphore_mem>>)
      } else {
      }
      %mul3A_175 = arith.constant 5 : i32
      %mul3A_176 = arith.muli %mul3A_175, %scan3A_64 : i32
      %add3A_177 = arith.constant 4 : i32
      %add3A_178 = arith.addi %mul3A_176, %add3A_177 : i32
      %dma_wait3A_179 = arith.constant 0 : i32
      %dma_wait3A_180 = arith.constant 0 : i32
      %dma_wait3A_181 = tpu.memref_slice %arg2[%dma_wait3A_179, %dma_wait3A_180] : memref<10000x64xi32, #tpu.memory_space<hbm>> -> memref<80x64xi32, #tpu.memory_space<hbm>>
      %dma_wait3A_182 = arith.constant 0 : i32
      %dma_wait3A_183 = arith.constant 0 : i32
      %dma_wait3A_184 = tpu.memref_slice %arg2[%dma_wait3A_182, %dma_wait3A_183] : memref<10000x64xi32, #tpu.memory_space<hbm>> -> memref<80x64xi32, #tpu.memory_space<hbm>>
      tpu.wait_dma2 semaphore(%arg28 : memref<!tpu.dma_semaphore, #tpu.memory_space<semaphore_mem>>) src(%dma_wait3A_184 : memref<80x64xi32, #tpu.memory_space<hbm>>) dst(%arg16 : memref<80x64xi32, #tpu.memory_space<vmem>>)
      %dma_wait3A_185 = arith.constant 0 : i32
      %dma_wait3A_186 = arith.constant 0 : i32
      %dma_wait3A_187 = tpu.memref_slice %arg2[%dma_wait3A_185, %dma_wait3A_186] : memref<10000x64xi32, #tpu.memory_space<hbm>> -> memref<80x64xi32, #tpu.memory_space<hbm>>
      %dma_wait3A_188 = arith.constant 0 : i32
      %dma_wait3A_189 = arith.constant 0 : i32
      %dma_wait3A_190 = tpu.memref_slice %arg2[%dma_wait3A_188, %dma_wait3A_189] : memref<10000x64xi32, #tpu.memory_space<hbm>> -> memref<80x64xi32, #tpu.memory_space<hbm>>
      tpu.wait_dma2 semaphore(%arg29 : memref<!tpu.dma_semaphore, #tpu.memory_space<semaphore_mem>>) src(%dma_wait3A_190 : memref<80x64xi32, #tpu.memory_space<hbm>>) dst(%arg17 : memref<80x64xi32, #tpu.memory_space<vmem>>)
      %mul3A_191 = arith.constant 80 : i32
      %mul3A_192 = arith.muli %add3A_178, %mul3A_191 : i32
      %parallel_loop3A_193 = arith.constant 0 : i32
      %parallel_loop3A_194 = arith.constant 80 : i32
      %parallel_loop3A_195 = arith.constant 1 : i32
      scf.for %parallel_loop3A_203 = %parallel_loop3A_193 to %parallel_loop3A_194 step %parallel_loop3A_195  : i32 {
        %parallel_loop3A_204 = arith.index_cast %parallel_loop3A_203 : i32 to index
        %parallel_loop3A_205 = arith.constant 0 : index
        %parallel_loop3A_206 = tpu.vector_load %arg16[%parallel_loop3A_204, %parallel_loop3A_205] {strides = array<i32>} : memref<80x64xi32, #tpu.memory_space<vmem>>, vector<16xi32>,
        %parallel_loop3A_207 = vector.bitcast %parallel_loop3A_206 : vector<16xi32> to vector<32xbf16>
        %parallel_loop3A_208 = arith.index_cast %parallel_loop3A_203 : i32 to index
        %parallel_loop3A_209 = arith.constant 0 : index
        %parallel_loop3A_210 = tpu.vector_load %arg17[%parallel_loop3A_208, %parallel_loop3A_209] {strides = array<i32>} : memref<80x64xi32, #tpu.memory_space<vmem>>, vector<16xi32>,
        %parallel_loop3A_211 = vector.bitcast %parallel_loop3A_210 : vector<16xi32> to vector<32xbf16>
        %parallel_loop3A_212 = arith.subf %parallel_loop3A_207, %parallel_loop3A_211 : vector<32xbf16>
        %parallel_loop3A_213 = arith.mulf %parallel_loop3A_212, %parallel_loop3A_212 : vector<32xbf16>
        %parallel_loop3A_214 = arith.index_cast %parallel_loop3A_203 : i32 to index
        %parallel_loop3A_215 = arith.constant 16 : index
        %parallel_loop3A_216 = tpu.vector_load %arg16[%parallel_loop3A_214, %parallel_loop3A_215] {strides = array<i32>} : memref<80x64xi32, #tpu.memory_space<vmem>>, vector<16xi32>,
        %parallel_loop3A_217 = vector.bitcast %parallel_loop3A_216 : vector<16xi32> to vector<32xbf16>
        %parallel_loop3A_218 = arith.index_cast %parallel_loop3A_203 : i32 to index
        %parallel_loop3A_219 = arith.constant 16 : index
        %parallel_loop3A_220 = tpu.vector_load %arg17[%parallel_loop3A_218, %parallel_loop3A_219] {strides = array<i32>} : memref<80x64xi32, #tpu.memory_space<vmem>>, vector<16xi32>,
        %parallel_loop3A_221 = vector.bitcast %parallel_loop3A_220 : vector<16xi32> to vector<32xbf16>
        %parallel_loop3A_222 = arith.subf %parallel_loop3A_217, %parallel_loop3A_221 : vector<32xbf16>
        %parallel_loop3A_223 = arith.mulf %parallel_loop3A_222, %parallel_loop3A_222 : vector<32xbf16>
        %parallel_loop3A_224 = arith.index_cast %parallel_loop3A_203 : i32 to index
        %parallel_loop3A_225 = arith.constant 32 : index
        %parallel_loop3A_226 = tpu.vector_load %arg16[%parallel_loop3A_224, %parallel_loop3A_225] {strides = array<i32>} : memref<80x64xi32, #tpu.memory_space<vmem>>, vector<16xi32>,
        %parallel_loop3A_227 = vector.bitcast %parallel_loop3A_226 : vector<16xi32> to vector<32xbf16>
        %parallel_loop3A_228 = arith.index_cast %parallel_loop3A_203 : i32 to index
        %parallel_loop3A_229 = arith.constant 32 : index
        %parallel_loop3A_230 = tpu.vector_load %arg17[%parallel_loop3A_228, %parallel_loop3A_229] {strides = array<i32>} : memref<80x64xi32, #tpu.memory_space<vmem>>, vector<16xi32>,
        %parallel_loop3A_231 = vector.bitcast %parallel_loop3A_230 : vector<16xi32> to vector<32xbf16>
        %parallel_loop3A_232 = arith.subf %parallel_loop3A_227, %parallel_loop3A_231 : vector<32xbf16>
        %parallel_loop3A_233 = arith.mulf %parallel_loop3A_232, %parallel_loop3A_232 : vector<32xbf16>
        %parallel_loop3A_234 = arith.addf %parallel_loop3A_213, %parallel_loop3A_233 : vector<32xbf16>
        %parallel_loop3A_235 = arith.index_cast %parallel_loop3A_203 : i32 to index
        %parallel_loop3A_236 = arith.constant 48 : index
        %parallel_loop3A_237 = tpu.vector_load %arg16[%parallel_loop3A_235, %parallel_loop3A_236] {strides = array<i32>} : memref<80x64xi32, #tpu.memory_space<vmem>>, vector<16xi32>,
        %parallel_loop3A_238 = vector.bitcast %parallel_loop3A_237 : vector<16xi32> to vector<32xbf16>
        %parallel_loop3A_239 = arith.index_cast %parallel_loop3A_203 : i32 to index
        %parallel_loop3A_240 = arith.constant 48 : index
        %parallel_loop3A_241 = tpu.vector_load %arg17[%parallel_loop3A_239, %parallel_loop3A_240] {strides = array<i32>} : memref<80x64xi32, #tpu.memory_space<vmem>>, vector<16xi32>,
        %parallel_loop3A_242 = vector.bitcast %parallel_loop3A_241 : vector<16xi32> to vector<32xbf16>
        %parallel_loop3A_243 = arith.subf %parallel_loop3A_238, %parallel_loop3A_242 : vector<32xbf16>
        %parallel_loop3A_244 = arith.mulf %parallel_loop3A_243, %parallel_loop3A_243 : vector<32xbf16>
        %parallel_loop3A_245 = arith.addf %parallel_loop3A_223, %parallel_loop3A_244 : vector<32xbf16>
        %parallel_loop3A_246 = tpu.unpack_subelements %parallel_loop3A_234, 0 {pack_format = #tpu.pack_format<interleaved>} : vector<32xbf16> -> vector<16xf32>
        %parallel_loop3A_247 = tpu.unpack_subelements %parallel_loop3A_234, 1 {pack_format = #tpu.pack_format<interleaved>} : vector<32xbf16> -> vector<16xf32>
        %parallel_loop3A_248 = tpu.unpack_subelements %parallel_loop3A_245, 0 {pack_format = #tpu.pack_format<interleaved>} : vector<32xbf16> -> vector<16xf32>
        %parallel_loop3A_249 = tpu.unpack_subelements %parallel_loop3A_245, 1 {pack_format = #tpu.pack_format<interleaved>} : vector<32xbf16> -> vector<16xf32>
        %parallel_loop3A_250 = arith.addf %parallel_loop3A_246, %parallel_loop3A_247 : vector<16xf32>
        %parallel_loop3A_251 = arith.addf %parallel_loop3A_248, %parallel_loop3A_249 : vector<16xf32>
        %parallel_loop3A_252 = arith.addf %parallel_loop3A_250, %parallel_loop3A_251 : vector<16xf32>
        %parallel_loop3A_253 = arith.constant true
        %parallel_loop3A_254 = vector.broadcast %parallel_loop3A_253 : i1 to vector<16xi1>
        %parallel_loop3A_255 = tpu.scan <sum>, %parallel_loop3A_252 masked %parallel_loop3A_254 : vector<16xf32>, vector<16xi1> -> vector<16xf32>
        %parallel_loop3A_256 = arith.addi %mul3A_192, %parallel_loop3A_203 : i32
        %parallel_loop3A_257 = vector.broadcast %parallel_loop3A_256 : i32 to vector<16xi32>
        tpu.vector_store_idx %arg18[%parallel_loop3A_257], %parallel_loop3A_255 masked %eq3A_7 : memref<10000xf32, #tpu.memory_space<vmem>>[vector<16xi32>], vector<16xf32>, vector<16xi1>
      } {sc.loop_unroll_factor = 4 : i64, sc.parallel_access}
      %add3A_196 = arith.constant 5 : i32
      %add3A_197 = arith.addi %add3A_178, %add3A_196 : i32
      %lt3A_198 = arith.constant 125 : i32
      %lt3A_199 = arith.cmpi slt, %add3A_197, %lt3A_198 : i32
      %convert_element_type3A_200 = arith.extui %lt3A_199 : i1 to i32
      %cond3A_201 = arith.constant 0 : i32
      %cond3A_202 = arith.cmpi ne, %convert_element_type3A_200, %cond3A_201 : i32
      scf.if %cond3A_202 {
        %add3A_203 = arith.constant 5 : i32
        %add3A_204 = arith.addi %add3A_178, %add3A_203 : i32
        %mul3A_205 = arith.constant 80 : i32
        %mul3A_206 = arith.muli %add3A_204, %mul3A_205 : i32
        %dma_start3A_207 = tpu.memref_slice %arg6[%mul3A_206] : memref<10000xi32, #tpu.memory_space<vmem>> -> memref<80xi32, #tpu.memory_space<vmem>>
        %dma_start3A_208 = arith.constant 0 : i32
        %dma_start3A_209 = arith.constant 0 : i32
        %dma_start3A_210 = tpu.memref_slice %arg2[%dma_start3A_208, %dma_start3A_209] : memref<10000x64xi32, #tpu.memory_space<hbm>> -> memref<10000x64xi32, #tpu.memory_space<hbm>>
        tpu.enqueue_indirect_dma source(%dma_start3A_210 : memref<10000x64xi32, #tpu.memory_space<hbm>>) target(%arg16 : memref<80x64xi32, #tpu.memory_space<vmem>>) offsets(%dma_start3A_207 : memref<80xi32, #tpu.memory_space<vmem>>) semaphore(%arg28 : memref<!tpu.dma_semaphore, #tpu.memory_space<semaphore_mem>>)
        %mul3A_211 = arith.constant 80 : i32
        %mul3A_212 = arith.muli %add3A_204, %mul3A_211 : i32
        %dma_start3A_213 = tpu.memref_slice %arg7[%mul3A_212] : memref<10000xi32, #tpu.memory_space<vmem>> -> memref<80xi32, #tpu.memory_space<vmem>>
        %dma_start3A_214 = arith.constant 0 : i32
        %dma_start3A_215 = arith.constant 0 : i32
        %dma_start3A_216 = tpu.memref_slice %arg19[%dma_start3A_214, %dma_start3A_215] : memref<10000x64xi32, #tpu.memory_space<vmem_shared>> -> memref<10000x64xi32, #tpu.memory_space<vmem_shared>>
        tpu.enqueue_indirect_dma source(%dma_start3A_216 : memref<10000x64xi32, #tpu.memory_space<vmem_shared>>) target(%arg17 : memref<80x64xi32, #tpu.memory_space<vmem>>) offsets(%dma_start3A_213 : memref<80xi32, #tpu.memory_space<vmem>>) semaphore(%arg29 : memref<!tpu.dma_semaphore, #tpu.memory_space<semaphore_mem>>)
      } else {
      }
    }
    %scan3A_61 = arith.constant 25 : i32
    %parallel_loop3A = arith.constant 0 : i32
    %parallel_loop3A_62 = arith.constant 625 : i32
    %parallel_loop3A_63 = arith.constant 1 : i32
    scf.for %parallel_loop3A_64 = %parallel_loop3A to %parallel_loop3A_62 step %parallel_loop3A_63  : i32 {
      %parallel_loop3A_65 = arith.constant 16 : i32
      %parallel_loop3A_66 = arith.muli %parallel_loop3A_64, %parallel_loop3A_65 : i32
      %parallel_loop3A_67 = arith.index_cast %parallel_loop3A_66 : i32 to index
      %parallel_loop3A_68 = tpu.vector_load %arg18[%parallel_loop3A_67] {strides = array<i32>} : memref<10000xf32, #tpu.memory_space<vmem>>, vector<16xf32>,
      %parallel_loop3A_69 = arith.constant 2.000000e+00 : f32
      %parallel_loop3A_70 = vector.broadcast %parallel_loop3A_69 : f32 to vector<16xf32>
      %parallel_loop3A_71 = arith.subf %parallel_loop3A_68, %parallel_loop3A_70 : vector<16xf32>
      %parallel_loop3A_72 = arith.constant 1.000000e+00 : f32
      %parallel_loop3A_73 = vector.broadcast %parallel_loop3A_72 : f32 to vector<16xf32>
      %parallel_loop3A_74 = arith.mulf %parallel_loop3A_71, %parallel_loop3A_73 : vector<16xf32>
      %parallel_loop3A_75 = math.exp %parallel_loop3A_74 : vector<16xf32>
      %parallel_loop3A_76 = arith.constant 1.000000e+00 : f32
      %parallel_loop3A_77 = vector.broadcast %parallel_loop3A_76 : f32 to vector<16xf32>
      %parallel_loop3A_78 = arith.addf %parallel_loop3A_75, %parallel_loop3A_77 : vector<16xf32>
      %parallel_loop3A_79 = arith.constant 1.000000e+00 : f32
      %parallel_loop3A_80 = vector.broadcast %parallel_loop3A_79 : f32 to vector<16xf32>
      %parallel_loop3A_81 = arith.divf %parallel_loop3A_80, %parallel_loop3A_78 : vector<16xf32>
      %parallel_loop3A_82 = arith.constant 16 : i32
      %parallel_loop3A_83 = arith.muli %parallel_loop3A_64, %parallel_loop3A_82 : i32
      %parallel_loop3A_84 = arith.index_cast %parallel_loop3A_83 : i32 to index
      %parallel_loop3A_85 = tpu.vector_load %arg18[%parallel_loop3A_84] {strides = array<i32>} : memref<10000xf32, #tpu.memory_space<vmem>>, vector<16xf32>,
      tpu.vector_store %arg18[%parallel_loop3A_84], %parallel_loop3A_81 {strides = array<i32>} : memref<10000xf32, #tpu.memory_space<vmem>>, vector<16xf32>,
    } {sc.loop_unroll_factor = 2 : i64, sc.parallel_access}
    "tpu.region"() ({
      %run_scoped3A = tpu.sem_alloc : memref<!tpu.dma_semaphore, #tpu.memory_space<semaphore_mem>>
      %dma_start3A_64 = tpu.memref_slice %arg5[%mul3A_2] : memref<320000xf32, #tpu.memory_space<hbm>> -> memref<10000xf32, #tpu.memory_space<hbm>>
      %dma_start3A_65 = tpu.memref_slice %arg5[%mul3A_2] : memref<320000xf32, #tpu.memory_space<hbm>> -> memref<10000xf32, #tpu.memory_space<hbm>>
      tpu.enqueue_dma source(%arg18 : memref<10000xf32, #tpu.memory_space<vmem>>) target(%dma_start3A_65 : memref<10000xf32, #tpu.memory_space<hbm>>) target_semaphore(%run_scoped3A : memref<!tpu.dma_semaphore, #tpu.memory_space<semaphore_mem>>)
      %dma_wait3A = tpu.memref_slice %arg5[%mul3A_2] : memref<320000xf32, #tpu.memory_space<hbm>> -> memref<10000xf32, #tpu.memory_space<hbm>>
      %dma_wait3A_66 = tpu.memref_slice %arg5[%mul3A_2] : memref<320000xf32, #tpu.memory_space<hbm>> -> memref<10000xf32, #tpu.memory_space<hbm>>
      tpu.wait_dma2 semaphore(%run_scoped3A : memref<!tpu.dma_semaphore, #tpu.memory_space<semaphore_mem>>) src(%arg18 : memref<10000xf32, #tpu.memory_space<vmem>>) dst(%dma_wait3A_66 : memref<10000xf32, #tpu.memory_space<hbm>>)
      tpu.yield
    }) : () -> ()
    return
  }
}

</mosaic_0001>

<sc_bundles>
// kernel: _decode.3.cloned.1.call-start
scs
__scs_entry_jumppad:
0x0: {  	(pc) =	sbr.rel $0x88, $3  }
0x1: {  	(tag) =	ssettag $0x0;
	lr =	simm.s32 $0x1  }
0x2: {  	[smem:$0x3F9E] =	sst lr;
	_ =	strace $0xD0000000  }
0x3: {  	_ = 	snop  }
0x4: {  	_ = 	snop  }
0x5: {  	_ = 	snop  }
0x6: {  	_ = 	snop  }
0x7: {  	_ = 	snop  }
__scs_overlays_trampoline_lowered:
0x8: {  	[smem:$0x3FAD] =	sst s0  }
0x9: {  	[smem:$0x3FAE] =	sst s1  }
0xa: {  	[smem:$0x3FAF] =	sst s2  }
0xb: {  	[smem:$0x3FB0] =	sst s3  }
0xc: {  	[smem:$0x3FB1] =	sst s4  }
0xd: {  	[smem:$0x3FB2] =	sst s5  }
0xe: {  	[smem:$0x3FB3] =	sst s6  }
0xf: {  	[smem:$0x3FB4] =	sst s7  }
0x10: {  	[smem:$0x3FB5] =	sst s8  }
0x11: {  	[smem:$0x3FB6] =	sst s9;
	s0 =	simm.s32 @!p0 $0x0  }
0x12: {  	s1 =	sld [smem:$0x3F9C];
	s0 =	simm.s32 @p0 $0x1  }
0x13: {  	[smem:$0x3FB7] =	sst s0;
	s0 =	simm.s32 @!p1 $0x0  }
0x14: {  	s2 =	sld [smem:$0x3F9B];
	s0 =	simm.s32 @p1 $0x1  }
0x15: {  	[smem:$0x3FB8] =	sst s0;
	s0 =	simm.s32 @!p2 $0x0  }
0x16: {  	s3 =	sld [smem:$0x3FDB];
	s0 =	simm.s32 @p2 $0x1  }
0x17: {  	s4 =	simm.s32 $0x1BF5;
	[smem:$0x3FBA] =	sst s0  }
0x18: {  	s0 =	sld [smem:$0x3F9D];
	_ =	swait.ge [sflag:s4], $0x0  }
0x19: {  	s7 =	sld [smem:$0x3F9E]  }
0x1a: {  	s8 =	sadd.s32 $0xFFFFE003, lr  }
0x1b: {  	s9 =	sadd.s32 $0xFFFFFEF7, lr;
	s5 =	simm.s32 $0xFFFFFFFF;
	p2 =	slt.u32 s8, $0xFFFFF086  }
0x1c: {  	p1 =	slt.u32 s9, $0xF7A;
	s5 =	simm.s32 @!p2 $0x0  }
0x1d: {  	s5 =	simm.s32 @p1 $0x1;
	p0 =	seq.s32 s7, s2  }
0x1e: {  	s7 =	smul.u32 @!p0 $0xF7A, s2;
	p2 =	seq.s32 @!p0 s5, $0x0  }
0x1f: {  	s9 =	smul.u32 $0xF7A, s1;
	s8 =	simm.s32 @!p0 $0x1BF5;
	p2 =	por !p2, p0  }
0x20: {  	[sflag:s8] =	ssyncset.s32 @!p0 $0xFFFFF086;
	s6 =	sadd.s32 @!p0 s3, s7;
	s7 =	simm.s32 @!p0 $0x108  }
0x21: {  	s3 =	sadd.s32 s3, s9;
	s6 =	sadd.s32 @!p0 $0x88, s6;
	s7 =	simm.s32 @p2 $0x1082  }
0x22: {  	[simem:s7], [sflag:s8] =	dma.local @!p0 [hbm:s6], $0xF7A  }
0x23: {  	s9 =	sor.u32 $0xD0000000, s2;
	s6 =	simm.s32 $0x108;
	_ =	swait.ge @!p0 [sflag:s8], $0x0  }
0x24: {  	s3 =	sadd.s32 $0x88, s3;
	s6 =	simm.s32 @!p1 $0x1082;
	[sflag:s4] =	ssyncset.s32 $0xFFFFF086  }
0x25: {  	[simem:s6], [sflag:s4] =	dma.local [hbm:s3], $0xF7A  }
0x26: {  	[smem:$0x3F9E] =	sst s1;
	(tag) =	ssettag s2;
	_ =	strace s9  }
0x27: {  	s1 =	sld [smem:$0x3FAE]  }
0x28: {  	s2 =	sld [smem:$0x3FAF]  }
0x29: {  	s4 =	sld [smem:$0x3FB1]  }
0x2a: {  	p0 =	seq.s32 s5, $0x0;
	s5 =	sld [smem:$0x3FB2]  }
0x2b: {  	s6 =	sld [smem:$0x3FB3]  }
0x2c: {  	s7 =	sld [smem:$0x3FB4]  }
0x2d: {  	s3 =	simm.s32 $0x108;
	s8 =	sld [smem:$0x3FB5]  }
0x2e: {  	s3 =	simm.s32 @!p0 $0x1082;
	s9 =	sld [smem:$0x3FB6]  }
0x2f: {  	lr =	sadd.s32 s0, s3;
	s0 =	sld [smem:$0x3FAD]  }
0x30: {  	s3 =	sld [smem:$0x3FB0]  }
0x31: {  	[smem:$0x3FB9] =	sst s10  }
0x32: {  	s10 =	sld [smem:$0x3FB7];
	_ =	sdelay $0x3  }
0x33: {  	p0 =	seq.s32 s10, $0x1;
	s10 =	sld [smem:$0x3FB9];
	_ =	sdelay $0x3  }
0x34: {  	[smem:$0x3FB9] =	sst s10  }
0x35: {  	s10 =	sld [smem:$0x3FB8];
	_ =	sdelay $0x3  }
0x36: {  	p1 =	seq.s32 s10, $0x1;
	s10 =	sld [smem:$0x3FB9];
	_ =	sdelay $0x3  }
0x37: {  	[smem:$0x3FB9] =	sst s10  }
0x38: {  	s10 =	sld [smem:$0x3FBA]  }
0x39: {  	_ = 	snop;
	(pc) =	sbr.ind lr, $3  }
0x3a: {  	_ = 	snop  }
0x3b: {  	_ = 	snop  }
0x3c: {  	p2 =	seq.s32 s10, $0x1;
	s10 =	sld [smem:$0x3FB9]  }
0x3d: {  	_ =	shalt  }
0x3e: {  	_ =	shalt  }
0x3f: {  	_ =	shalt  }
0x40: {  	_ =	shalt  }
0x41: {  	_ =	shalt  }
0x42: {  	_ =	shalt  }
0x43: {  	_ =	shalt  }
0x44: {  	_ =	shalt  }
0x45: {  	_ =	shalt  }
0x46: {  	_ =	shalt  }
0x47: {  	_ =	shalt  }
0x48: {  	_ =	shalt  }
0x49: {  	_ =	shalt  }
0x4a: {  	_ =	shalt  }
0x4b: {  	_ =	shalt  }
0x4c: {  	_ =	shalt  }
0x4d: {  	_ =	shalt  }
0x4e: {  	_ =	shalt  }
0x4f: {  	_ =	shalt  }
0x50: {  	_ =	shalt  }
0x51: {  	_ =	shalt  }
0x52: {  	_ =	shalt  }
0x53: {  	_ =	shalt  }
0x54: {  	_ =	shalt  }
0x55: {  	_ =	shalt  }
0x56: {  	_ =	shalt  }
0x57: {  	_ =	shalt  }
0x58: {  	_ =	shalt  }
0x59: {  	_ =	shalt  }
0x5a: {  	_ =	shalt  }
0x5b: {  	_ =	shalt  }
0x5c: {  	_ =	shalt  }
0x5d: {  	_ =	shalt  }
0x5e: {  	_ =	shalt  }
0x5f: {  	_ =	shalt  }
0x60: {  	_ =	shalt  }
0x61: {  	_ =	shalt  }
0x62: {  	_ =	shalt  }
0x63: {  	_ =	shalt  }
0x64: {  	_ =	shalt  }
0x65: {  	_ =	shalt  }
0x66: {  	_ =	shalt  }
0x67: {  	_ =	shalt  }
0x68: {  	_ =	shalt  }
0x69: {  	_ =	shalt  }
0x6a: {  	_ =	shalt  }
0x6b: {  	_ =	shalt  }
0x6c: {  	_ =	shalt  }
0x6d: {  	_ =	shalt  }
0x6e: {  	_ =	shalt  }
0x6f: {  	_ =	shalt  }
0x70: {  	_ =	shalt  }
0x71: {  	_ =	shalt  }
0x72: {  	_ =	shalt  }
0x73: {  	_ =	shalt  }
0x74: {  	_ =	shalt  }
0x75: {  	_ =	shalt  }
0x76: {  	_ =	shalt  }
0x77: {  	_ =	shalt  }
0x78: {  	_ =	shalt  }
0x79: {  	_ =	shalt  }
0x7a: {  	_ =	shalt  }
0x7b: {  	_ =	shalt  }
0x7c: {  	_ =	shalt  }
0x7d: {  	_ =	shalt  }
0x7e: {  	_ =	shalt  }
0x7f: {  	_ =	shalt  }
0x80: {  	_ =	shalt  }
0x81: {  	_ =	shalt  }
0x82: {  	_ =	shalt  }
0x83: {  	_ =	shalt  }
0x84: {  	_ =	shalt  }
0x85: {  	_ =	shalt  }
0x86: {  	_ =	shalt  }
0x87: {  	_ =	shalt  }
.Lfunc_end0:
.L_simem_size_0:
called_computation_lowered:
.L_overlay_start_0:
0x88: {  	s2 =	sld [smem:$0x3FD9]  }
0x89: {  	s3 =	sld [smem:$0x3FFE];
	_ =	sdelay $0x1  }
0x8a: {  	s1 =	srdreg.scid  }
0x8b: {  	s0 =	sand.u32 $0x1, s1  }
0x8c: {  	s17 =	sshll.u32 s0, $0xA;
	s2 =	sadd.s32 s3, s2  }
0x8d: {  	s2 =	sadd.s32 s2, s17  }
0x8e: {  	[smem:$0x3FC5] =	sst s2  }
0x8f: {  	_ = 	snop  }
0x90: {  	s2 =	sld [smem:$0x3FC8]  }
0x91: {  	s18 =	sld [smem:$0x3FC7]  }
0x92: {  	s4 =	sld [smem:$0x3FD0];
	(tm) =	ssettm $0x1  }
0x93: {  	s5 =	sld [smem:$0x3FFB];
	_ =	sdelay $0x3  }
0x94: {  	_ =	strace s5  }
0x95: {  	s5 =	sld [smem:$0x3FFC];
	_ =	sdelay $0x3  }
0x96: {  	_ =	strace s5  }
0x97: {  	s5 =	sld [smem:$0x3FFD];
	_ =	sdelay $0x3  }
0x98: {  	_ =	strace s5  }
0x99: {  	_ =	strace $0x8FFFFFFF  }
0x9a: {  	s19 =	sld [smem:$0x3FDB];
	_ =	sdelay $0x1  }
0x9b: {  	s6 =	simm.s32 $_scs_section_size  }
0x9c: {  	s7 =	simm.s32 $_size__tile_overlayer_lowered;
	s8 =	simm.s32 $_tile_overlayer_lowered  }
0x9d: {  	s22 =	simm.s32 $0x1BFF;
	s21 =	sshll.u32 s8, $0x1;
	s5 =	sadd.s32 s6, s19  }
0x9e: {  	s9 =	simm.s32 $0x0;
	s20 =	sshll.u32 s7, $0x1;
	s7 =	sadd.s32 s21, s5  }
0x9f: {  	[timem:s9], [sflag:s22] =	dma.local [hbm:s7], s20  }
0xa0: {  	_ =	swait.ge [sflag:s22], s20  }
0xa1: {  	s6 =	ssub.s32 $0x0, s20;
	[sflag:s22] =	ssyncset.done $0x0  }
0xa2: {  	[sflag:s22] =	ssyncadd.s32 s6;
	_ =	sdelay $0x1  }
0xa3: {  	s23 =	simm.s32 $0x1B8B  }
0xa4: {  	_ =	swait.ge [sflag:s23], $0x1  }
0xa5: {  	[sflag:s23] =	ssyncset.done $0x0  }
0xa6: {  	s25 =	simm.s32 $0x1B8E;
	s24 =	sld [smem:$0x3FFE];
	[sflag:s23] =	ssyncadd.s32 $0xFFFFFFFF  }
0xa7: {  	s26 =	simm.s32 $execute0_lowered;
	[smem:$0x3FD2] =	sst s25  }
0xa8: {  	s7 =	sshll.u32 s26, $0x1;
	_ =	strace $0x80000046;
	[dreg:$0x1] =	wrdreg $0xFFFFFFFF  }
0xa9: {  	s28 =	simm.s32 $_size_execute0_lowered;
	s5 =	sadd.s32 s5, s7;
	[dreg:$0x0] =	wrdreg $0x0  }
0xaa: {  	s7 =	sshll.u32 s28, $0x1;
	[dreg:$0x2] =	wrdreg s5  }
0xab: {  	[dreg:$0x3] =	wrdreg s7  }
0xac: {  	[dreg:$0x4] =	wrdreg $0xC0  }
0xad: {  	_ =	task [dreg:s9], $0x5FFFF  }
0xae: {  	[dreg:$0x1] =	wrdreg $0xFFFFFFFF  }
0xaf: {  	[dreg:$0x0] =	wrdreg $0x60  }
0xb0: {  	[dreg:$0x2] =	wrdreg s24  }
0xb1: {  	[dreg:$0x3] =	wrdreg s2  }
0xb2: {  	[dreg:$0x4] =	wrdreg s18  }
0xb3: {  	[dreg:$0x5] =	wrdreg s4  }
0xb4: {  	[dreg:$0x6] =	wrdreg $0x13D300  }
0xb5: {  	[dreg:$0x7] =	wrdreg $0x9  }
0xb6: {  	_ =	task.clear_ibuf [dreg:s9], $0x8FFFF;
	_ =	strace $0x90000046  }
0xb7: {  	s29 =	simm.s32 $0x9;
	_ =	strace $0x80000048  }
0xb8: {  	_ =	swait.ge [sflag:s29], $0x1  }
0xb9: {  	[sflag:s29] =	ssyncadd.s32 $0xFFFFFFFF  }
0xba: {  	_ =	strace $0x90000048  }
0xbb: {  	_ =	sfence  }
0xbc: {  	s30 =	sld [smem:$0x0];
	_ =	sdelay $0x2  }
0xbd: {  	s31 =	sshll.u32 s1, $0xD;
	s1 =	sshrl.u32 s1, $0x2  }
0xbe: {  	s3 =	sand.u32 $0x4000, s31;
	s1 =	sadd.s32 s1, s30  }
0xbf: {  	s0 =	sor.u32 s3, s0;
	s1 =	sshll.u32 s1, $0x11  }
0xc0: {  	s0 =	sor.u32 s1, s0  }
0xc1: {  	s0 =	sadd.s32 $0x8F2B, s0  }
0xc2: {  	[sflag:s0] =	ssyncadd.remote.s32 $0x1  }
0xc3: {  	_ =	sfence.sel $0xFFFF  }
0xc4: {  	[dreg:$0x0] =	wrdreg $0xFFFFFFFF;
	(pc) =	sbr.abs _section_cstart, $3  }
0xc5: {  	[dreg:$0x1] =	wrdreg $0xFFFFFFFF  }
0xc6: {  	_ =	task.clear_ibuf [dreg:s9], $0x2FFFF;
	_ =	strace $0x9FFFFFFF  }
0xc7: {  	(tm) =	ssettm $0x7FFFFFFF  }
tec
execute0_lowered:
.L_overlay_start_1:
0x0: {  	(tag) =	ssettag $0x1  }
0x1: {  	s0 =	rddreg [dreg:$0x0]  }
0x2: {  	s4 =	rddreg [dreg:$0x1]  }
0x3: {  	s5 =	rddreg [dreg:$0x2]  }
0x4: {  	s6 =	rddreg [dreg:$0x3];
	s2 =	srdreg.scid  }
0x5: {  	s8 =	stileid.u32;
	s1 =	rddreg [dreg:$0x4];
	s11 =	simm.s32 $0x50  }
0x6: {  	s29 =	simm.s32 $0x10220;
	s30 =	simm.s32 $0x1;
	s31 =	simm.s32 $0x2  }
0x7: {  	s12 =	simm.s32 $0x3;
	s13 =	simm.s32 $0x4;
	s14 =	simm.s32 $0x5  }
0x8: {  	s15 =	simm.s32 $0x6;
	s16 =	simm.s32 $0x7;
	s17 =	simm.s32 $0x8  }
0x9: {  	s18 =	simm.s32 $0x9;
	s3 =	sand.u32 $0x1, s2;
	s7 =	sshll.u32 s8, $0x1  }
0xa: {  	s19 =	simm.s32 $0xA;
	s20 =	simm.s32 $0x0;
	s7 =	sor.u32 s3, s7  }
0xb: {  	s2 =	simm.s32 $0x0;
	p0 =	sne.s32 s8, $0x0;
	s7 =	smul.u32 $0x4E2, s7  }
0xc: {  	[smem:$0x7FF] =	sst s2;
	s9 =	ssub.s32 $0x2, s3;
	s3 =	sadd.s32 $0x400, s0  }
0xd: {  	s8 =	sshrl.u32 @!p0 s1, $0x3;
	_ =	strace $0x80000047;
	s4 =	sadd.s32 s4, s7  }
0xe: {  	vm0 =	vcmask $0x3F3C;
	s25 =	sshrl.u32 s9, $0x1;
	s26 =	sadd.s32 s5, s7;
	[dreg:$0x6] =	wrdreg s4  }
0xf: {  	s0 =	ssub.s32 s9, s25;
	s28 =	sadd.s32 s6, s7;
	[dreg:$0x7] =	wrdreg s26  }
0x10: {  	s9 =	simm.s32 $0xB;
	s0 =	smax.u32 s0, $0x1;
	[dreg:$0x8] =	wrdreg s28  }
0x11: {  	[dreg:$0x9] =	wrdreg s0;
	s26 =	simm.s32 $0xEE20;
	s0 =	simm.s32 $0x11620  }
.LBB2_1:
0x12: {  	s10 =	simm.s32 @!p0 $0x1C0B  }
0x13: {  	[spmem:s8], [sflag:s10] =	dma.local @!p0 [hbm:s3], $0x13880  }
0x14: {  	s10 =	simm.s32 @!p0 $0xB  }
0x15: {  	_ =	swait.ge @!p0 [sflag:s10], $0x13880  }
0x16: {  	[sflag:s10] =	ssyncset.done @!p0 $0x0  }
0x17: {  	s4 =	rddreg [dreg:$0x6];
	[sflag:s10] =	ssyncadd.s32 @!p0 $0xFFFEC780  }
0x18: {  	[tilespmem:s2], [sflag:$0xB] =	stream.linear.gather [hbm4b:s4+s2], $0x2710, $0x38;
	[tilespmem:$0x1D970] =	vst v63  }
0x19: {  	_ =	swait.ge [sflag:s9], $0x2710  }
0x1a: {  	[sflag:s9] =	ssyncset.done $0x0  }
0x1b: {  	s5 =	simm.s32 $0x2710;
	s21 =	rddreg [dreg:$0x7];
	[sflag:s9] =	ssyncadd.s32 $0xFFFFD8F0  }
0x1c: {  	[tilespmem:s5], [sflag:$0xB] =	stream.linear.gather [hbm4b:s21+s2], $0x2710, $0x38;
	[tilespmem:$0x1D970] =	vst v63  }
0x1d: {  	_ =	swait.ge [sflag:s9], $0x2710  }
0x1e: {  	[sflag:s9] =	ssyncset.done $0x0  }
0x1f: {  	[sflag:s9] =	ssyncadd.s32 $0xFFFFD8F0  }
0x20: {  	s22 =	simm.s32 $0x4E20;
	[bflag:$0x0] =	sbarrier.arrive $0xFFFF  }
0x21: {  	[tilespmem:s22], [sflag:$0x1] =	stream.indirect.gather [hbm4b:s3+s11], $0x40, s2, s11, $0xb8;
	[tilespmem:$0x1D970] =	vst v63  }
0x22: {  	s23 =	simm.s32 $0x6220  }
0x23: {  	[tilespmem:s23], [sflag:$0x2] =	stream.indirect.gather [spmem:s1], $0x40, s5, s11, $0xb8;
	[tilespmem:$0x1D970] =	vst v63  }
0x24: {  	s24 =	simm.s32 $0x7620  }
0x25: {  	[tilespmem:s24], [sflag:$0x3] =	stream.indirect.gather [hbm4b:s3+s11], $0x40, s11, s11, $0xb8;
	[tilespmem:$0x1D970] =	vst v63  }
0x26: {  	s25 =	simm.s32 $0x2760;
	s28 =	simm.s32 $0x8A20  }
0x27: {  	[tilespmem:s28], [sflag:$0x4] =	stream.indirect.gather [spmem:s1], $0x40, s25, s11, $0xb8;
	[tilespmem:$0x1D970] =	vst v63  }
0x28: {  	s6 =	simm.s32 $0x9E20;
	s5 =	simm.s32 $0xA0  }
0x29: {  	[tilespmem:s6], [sflag:$0x5] =	stream.indirect.gather [hbm4b:s3+s11], $0x40, s5, s11, $0xb8;
	[tilespmem:$0x1D970] =	vst v63  }
0x2a: {  	s7 =	simm.s32 $0x27B0;
	s10 =	simm.s32 $0xB220  }
0x2b: {  	[tilespmem:s10], [sflag:$0x6] =	stream.indirect.gather [spmem:s1], $0x40, s7, s11, $0xb8;
	[tilespmem:$0x1D970] =	vst v63  }
0x2c: {  	s21 =	simm.s32 $0xF0;
	s22 =	simm.s32 $0xC620  }
0x2d: {  	[tilespmem:s22], [sflag:$0x7] =	stream.indirect.gather [hbm4b:s3+s11], $0x40, s21, s11, $0xb8;
	[tilespmem:$0x1D970] =	vst v63  }
0x2e: {  	s23 =	simm.s32 $0x2800;
	s24 =	simm.s32 $0xDA20  }
0x2f: {  	[tilespmem:s24], [sflag:$0x8] =	stream.indirect.gather [spmem:s1], $0x40, s23, s11, $0xb8;
	[tilespmem:$0x1D970] =	vst v63  }
0x30: {  	s25 =	simm.s32 $0x140  }
0x31: {  	[tilespmem:s26], [sflag:$0x9] =	stream.indirect.gather [hbm4b:s3+s11], $0x40, s25, s11, $0xb8;
	[tilespmem:$0x1D970] =	vst v63  }
0x32: {  	s28 =	simm.s32 $0x2850;
	s21 =	simm.s32 $0x0;
	s22 =	simm.s32 $0x0  }
0x33: {  	[tilespmem:s29], [sflag:$0xA] =	stream.indirect.gather [spmem:s1], $0x40, s28, s11, $0xb8;
	[tilespmem:$0x1D970] =	vst v63  }
.LBB2_2:
0x34: {  	_ =	swait.ge [sflag:s30], $0x1400  }
0x35: {  	[sflag:s30] =	ssyncset.done $0x0  }
0x36: {  	[sflag:s30] =	ssyncadd.s32 $0xFFFFEC00  }
0x37: {  	_ =	swait.ge [sflag:s31], $0x1400  }
0x38: {  	[sflag:s31] =	ssyncset.done $0x0  }
0x39: {  	s10 =	simm.s32 $0x4EA0;
	[sflag:s31] =	ssyncadd.s32 $0xFFFFEC00  }
0x3a: {  	s23 =	simm.s32 $0x62A0;
	v0 =	vld [tilespmem:s10+$0x40]  }
0x3b: {  	v1 =	vld [tilespmem:s23+$0x40]  }
0x3c: {  	v2 =	vld [tilespmem:s10+$0x50]  }
0x3d: {  	v3 =	vld [tilespmem:s23+$0x50]  }
0x3e: {  	v4 =	vld [tilespmem:s10+$0x60]  }
0x3f: {  	v5 =	vld [tilespmem:s23+$0x60]  }
0x40: {  	v6 =	vld [tilespmem:s10+$0x70]  }
0x41: {  	v7 =	vld [tilespmem:s23+$0x70]  }
0x42: {  	v8 =	vld [tilespmem:s23+$0xFFFFFF80]  }
0x43: {  	v9 =	vld [tilespmem:s10+$0xFFFFFF90]  }
0x44: {  	v10 =	vld [tilespmem:s23+$0xFFFFFF90]  }
0x45: {  	v11 =	vld [tilespmem:s10+$0xFFFFFFA0]  }
0x46: {  	v12 =	vld [tilespmem:s23+$0xFFFFFFA0]  }
0x47: {  	v13 =	vld [tilespmem:s10+$0xFFFFFFB0]  }
0x48: {  	v14 =	vld [tilespmem:s23+$0xFFFFFFB0]  }
0x49: {  	v15 =	vld [tilespmem:s10+$0xFFFFFFC0]  }
0x4a: {  	v16 =	vld [tilespmem:s23+$0xFFFFFFC0]  }
0x4b: {  	v17 =	vld [tilespmem:s10+$0xFFFFFFD0]  }
0x4c: {  	v18 =	vld [tilespmem:s23+$0xFFFFFFD0]  }
0x4d: {  	v21 =	vld [tilespmem:s23+$0x20]  }
0x4e: {  	v0 =	vsub.bf16 v0, v1;
	v1 =	vsub.bf16 v4, v5;
	v4 =	vld [tilespmem:s10+$0xFFFFFFF0]  }
0x4f: {  	v5 =	vld [tilespmem:s23+$0xFFFFFFF0]  }
0x50: {  	v2 =	vsub.bf16 v2, v3;
	v3 =	vsub.bf16 v6, v7;
	v6 =	vld [tilespmem:s10+$0x0]  }
0x51: {  	v7 =	vsub.bf16 v9, v10;
	v9 =	vld [tilespmem:s23+$0x0]  }
0x52: {  	v10 =	vsub.bf16 v11, v12;
	v12 =	vsub.bf16 v13, v14;
	v13 =	vld [tilespmem:s10+$0x20]  }
0x53: {  	s7 =	sadd.s32 $0xFFFFFFFC, s21;
	v19 =	vld [tilespmem:s10+$0xFFFFFFE0];
	v0 =	vmul.bf16 v0, v0;
	v1 =	vmul.bf16 v1, v1  }
0x54: {  	s24 =	simm.s32 $0x63A0;
	s4 =	sadd.s32 $0x4, s7;
	v20 =	vld [tilespmem:s23+$0xFFFFFFE0];
	v2 =	vmul.bf16 v2, v2;
	v3 =	vmul.bf16 v3, v3  }
0x55: {  	v22 =	vmov s4;
	v51 =	vld [tilespmem:s24+$0x40];
	v10 =	vmul.bf16 v10, v10;
	v0 =	vadd.bf16 v1, v0  }
0x56: {  	v1 =	vld [tilespmem:s10+$0x10];
	v2 =	vadd.bf16 v3, v2;
	v3 =	vmul.bf16 v7, v7;
	v4 =	vsub.bf16 v4, v5  }
0x57: {  	s28 =	simm.s32 $0x4FA0;
	v7 =	vld [tilespmem:s23+$0x10];
	v6 =	vsub.bf16 v6, v9;
	v13 =	vsub.bf16 v13, v21;
	v11 =	vunpack.i.u.bf16.f32 v0  }
0x58: {  	v5 =	vld [tilespmem:s28+$0x40];
	v0 =	vunpack.i.l.bf16.f32 v0;
	v14 =	vunpack.i.u.bf16.f32 v2;
	v2 =	vunpack.i.l.bf16.f32 v2  }
0x59: {  	v0 =	vadd.f32 v0, v11;
	v2 =	vadd.f32 v2, v14;
	v11 =	vmul.bf16 v12, v12;
	v12 =	vld [tilespmem:s10+$0x30]  }
0x5a: {  	v14 =	vsub.bf16 v15, v16;
	v15 =	vsub.bf16 v17, v18;
	v16 =	vld [tilespmem:s23+$0x30];
	v4 =	vmul.bf16 v4, v4  }
0x5b: {  	v17 =	vld [tilespmem:s10+$0xFFFFFF80];
	v6 =	vmul.bf16 v6, v6;
	v13 =	vmul.bf16 v13, v13;
	v3 =	vadd.bf16 v11, v3  }
0x5c: {  	v52 =	vld [tilespmem:s24+$0x60];
	v11 =	vsub.bf16 v19, v20;
	v2 =	vadd.f32 v2, v0;
	v0 =	vmul.bf16 v14, v14  }
0x5d: {  	v54 =	vld [tilespmem:s28+$0x70];
	v14 =	vmul.bf16 v15, v15;
	v1 =	vsub.bf16 v1, v7;
	v6 =	vadd.bf16 v13, v6  }
0x5e: {  	v9 =	vld [tilespmem:s28+$0x50];
	v5 =	vsub.bf16 v5, v51;
	v15 =	vunpack.i.u.bf16.f32 v3;
	v11 =	vmul.bf16 v11, v11  }
0x5f: {  	v3 =	vunpack.i.l.bf16.f32 v3;
	v4 =	vadd.bf16 v4, v14;
	v14 =	vld [tilespmem:s28+$0x60];
	v12 =	vsub.bf16 v12, v16  }
0x60: {  	v1 =	vmul.bf16 v1, v1;
	v16 =	vld [tilespmem:s24+$0x70];
	v8 =	vsub.bf16 v17, v8;
	v0 =	vadd.bf16 v11, v0  }
0x61: {  	v11 =	vld [tilespmem:s24+$0x50];
	v53 =	vunpack.i.u.bf16.f32 v4;
	v4 =	vunpack.i.l.bf16.f32 v4;
	v12 =	vmul.bf16 v12, v12  }
0x62: {  	v4 =	vadd.f32 v4, v53;
	v7 =	vunpack.i.u.bf16.f32 v0;
	v0 =	vunpack.i.l.bf16.f32 v0  }
0x63: {  	(xrf2) =	vadd.scan.msk.f32 $0xffff, v2;
	v2 =	vand.u32 $0xFFFFFFFC, v22;
	v7 =	vadd.f32 v0, v7;
	v1 =	vadd.bf16 v12, v1  }
0x64: {  	v55 =	vld [tilespmem:s28+$0xFFFFFFA0];
	v12 =	vunpack.i.u.bf16.f32 v6;
	v6 =	vunpack.i.l.bf16.f32 v6;
	v14 =	vsub.bf16 v14, v52  }
0x65: {  	v56 =	vld [tilespmem:s28+$0xFFFFFFB0];
	v6 =	vadd.f32 v6, v12;
	v4 =	vadd.f32 v4, v7;
	v7 =	vmul.bf16 v8, v8  }
0x66: {  	v13 =	vld [tilespmem:s28+$0xFFFFFF90];
	v5 =	vmul.bf16 v5, v5;
	v16 =	vsub.bf16 v54, v16;
	v9 =	vsub.bf16 v9, v11  }
0x67: {  	v8 =	vld [tilespmem:s24+$0xFFFFFF90];
	v7 =	vadd.bf16 v10, v7;
	(xrf2) =	vadd.scan.msk.f32 $0xffff, v4;
	v4 =	vunpack.i.u.bf16.f32 v1;
	v1 =	vunpack.i.l.bf16.f32 v1  }
0x68: {  	v58 =	vld [tilespmem:s28+$0xFFFFFFC0];
	v14 =	vmul.bf16 v14, v14;
	v4 =	vadd.f32 v1, v4;
	v1 =	vmul.bf16 v9, v9  }
0x69: {  	s5 =	sadd.s32 $0x5, s7;
	v12 =	vld [tilespmem:s24+$0xFFFFFFA0];
	v9 =	vmul.bf16 v16, v16;
	v57 =	vunpack.i.u.bf16.f32 v7;
	v7 =	vunpack.i.l.bf16.f32 v7  }
0x6a: {  	v59 =	vld [tilespmem:s24+$0xFFFFFFC0];
	v3 =	vadd.f32 v3, v15;
	v17 =	vmov s5;
	v7 =	vadd.f32 v7, v57  }
0x6b: {  	v22 =	vbroadcast v2, $0x0;
	v11 =	vld [tilespmem:s24+$0xFFFFFFB0];
	v5 =	vadd.bf16 v14, v5;
	v1 =	vadd.bf16 v9, v1  }
0x6c: {  	v61 =	vld [tilespmem:s28+$0x0];
	v17 =	vand.u32 $0xFFFFFFFD, v17;
	v2 =	vsub.bf16 v13, v8;
	v3 =	vadd.f32 v3, v7  }
0x6d: {  	v14 =	vld [tilespmem:s28+$0xFFFFFFF0];
	v13 =	vbroadcast v17, $0x0;
	v17 =	vunpack.i.u.bf16.f32 v1;
	v1 =	vunpack.i.l.bf16.f32 v1  }
0x6e: {  	v16 =	vld [tilespmem:s24+$0xFFFFFFD0];
	(xrf2) =	vadd.scan.msk.f32 $0xffff, v3;
	v3 =	vsub.bf16 v55, v12;
	v12 =	vunpack.i.u.bf16.f32 v5;
	v5 =	vunpack.i.l.bf16.f32 v5  }
0x6f: {  	s25 =	sadd.s32 $0x7, s7;
	v8 =	vld [tilespmem:s28+$0xFFFFFFE0];
	v17 =	vadd.f32 v1, v17;
	v5 =	vadd.f32 v5, v12  }
0x70: {  	s10 =	sadd.s32 $0x6, s7;
	v15 =	vmov s25;
	v9 =	vld [tilespmem:s24+$0xFFFFFFE0];
	v11 =	vsub.bf16 v56, v11  }
0x71: {  	v10 =	vmov s10;
	v7 =	vld [tilespmem:s28+$0xFFFFFFD0];
	v5 =	vadd.f32 v17, v5  }
0x72: {  	v10 =	vand.u32 $0xFFFFFFFE, v10;
	v11 =	vmul.bf16 v11, v11;
	v12 =	vld [tilespmem:s24+$0xFFFFFFF0]  }
0x73: {  	v60, _, _ =	vpop (xrf2);
	v2 =	vmul.bf16 v2, v2;
	v1 =	vbroadcast v10, $0x0;
	v10 =	vadd.f32 v4, v6;
	v6 =	vld [tilespmem:s24+$0x0];
	(xrf2) =	vadd.scan.msk.f32 $0xffff, v5  }
0x74: {  	v0 =	vld [tilespmem:s24+$0xFFFFFF80];
	v4 =	vsub.bf16 v58, v59  }
0x75: {  	[tilespmem:v15+s0+$0x0] =	vst.idx.msk vm0, v60;
	v15 =	vld [tilespmem:s28+$0x10];
	v2 =	vadd.bf16 v11, v2;
	v8 =	vsub.bf16 v8, v9  }
0x76: {  	v3 =	vmul.bf16 v3, v3;
	v11, _, _ =	vpop (xrf2);
	v17 =	vmul.bf16 v4, v4;
	v4 =	vsub.bf16 v7, v16;
	v16 =	vld [tilespmem:s24+$0x10];
	(xrf2) =	vadd.scan.msk.f32 $0xffff, v10  }
0x77: {  	s6 =	sadd.s32 $0x0, s21;
	v9 =	vunpack.i.u.bf16.f32 v2;
	v2 =	vunpack.i.l.bf16.f32 v2;
	v7 =	vld [tilespmem:s28+$0x20];
	[tilespmem:v13+s0+$0x0] =	vst.idx.msk vm0, v11;
	v11 =	vsub.bf16 v14, v12  }
0x78: {  	s7 =	sadd.s32 $0x7, s6;
	v2 =	vadd.f32 v2, v9;
	v9 =	vld [tilespmem:s24+$0x20];
	v63 =	vsub.bf16 v61, v6;
	v12 =	vmul.bf16 v8, v8  }
0x79: {  	s25 =	sadd.s32 $0x4, s6;
	v13 =	vmul.bf16 v4, v4;
	v4 =	vmov s7;
	v8 =	vld [tilespmem:s28+$0x30];
	v62 =	vmul.bf16 v11, v11  }
0x7a: {  	s4 =	sadd.s32 $0x5, s6;
	s23 =	smul.u32 $0x190, s22;
	v6 =	vmov s25;
	v10 =	vmul.bf16 v63, v63;
	v14 =	vadd.bf16 v12, v17;
	v11 =	vld [tilespmem:s24+$0x30];
	v5, _, _ =	vpop (xrf2)  }
0x7b: {  	s10 =	sadd.s32 $0x6, s6;
	s25 =	simm.s32 $0x4;
	v12 =	vld [tilespmem:s28+$0xFFFFFF80];
	v15 =	vsub.bf16 v15, v16;
	s28 =	simm.s32 $0x50A0;
	v13 =	vadd.bf16 v62, v13;
	[tilespmem:v22+s0+$0x0] =	vst.idx.msk vm0, v5;
	v5 =	vmov s4  }
.LBB2_3:
0x7c: {  	v16 =	vld [tilespmem:s28+$0x40];
	v17 =	vunpack.i.u.bf16.f32 v14;
	v14 =	vunpack.i.l.bf16.f32 v14;
	v18 =	vmov s10;
	s24 =	sadd.s32 $0x100, s24;
	s10 =	smov.u32 s25  }
0x7d: {  	v19 =	vld [tilespmem:s24+$0x40];
	v20 =	vunpack.i.u.bf16.f32 v13;
	v15 =	vmul.bf16 v15, v15;
	v7 =	vsub.bf16 v7, v9;
	v9, _, _ =	vpop (xrf2)  }
0x7e: {  	v6 =	vand.u32 $0xFFFFFFFC, v6;
	v22 =	vunpack.i.l.bf16.f32 v13;
	v14 =	vadd.f32 v14, v17;
	v21 =	vld [tilespmem:s28+$0x50];
	[tilespmem:v4+s0+$0x0] =	vst.idx.msk vm0, v9  }
0x7f: {  	v9 =	vadd.f32 v22, v20;
	v4 =	vld [tilespmem:s24+$0x50];
	v7 =	vmul.bf16 v7, v7;
	v8 =	vsub.bf16 v8, v11  }
0x80: {  	v5 =	vand.u32 $0xFFFFFFFD, v5;
	v11 =	vld [tilespmem:s28+$0x60];
	v0 =	vsub.bf16 v12, v0;
	v12 =	vand.u32 $0xFFFFFFFE, v18;
	v13, _, _ =	vpop (xrf2)  }
0x81: {  	v9 =	vadd.f32 v9, v14;
	v17 =	vld [tilespmem:s24+$0x60];
	v7 =	vadd.bf16 v7, v10;
	v8 =	vmul.bf16 v8, v8  }
0x82: {  	v6 =	vbroadcast v6, $0x0;
	v10 =	vld [tilespmem:s28+$0x70];
	v14 =	vmul.bf16 v0, v0;
	[tilespmem:v1+s0+$0x0] =	vst.idx.msk vm0, v13  }
0x83: {  	s25 =	sadd.s32 $0x4, s25;
	v13 =	vld [tilespmem:s24+$0x70];
	v1 =	vadd.bf16 v8, v15;
	v8 =	vunpack.i.u.bf16.f32 v7;
	v7 =	vunpack.i.l.bf16.f32 v7;
	(xrf2) =	vadd.scan.msk.f32 $0xffff, v9  }
0x84: {  	p1 =	slt.u32 s25, $0x4C;
	v5 =	vbroadcast v5, $0x0;
	v0 =	vld [tilespmem:s24+$0xFFFFFF80];
	v3 =	vadd.bf16 v3, v14;
	v7 =	vadd.f32 v7, v8  }
0x85: {  	v8 =	vld [tilespmem:s28+$0xFFFFFF90];
	v9 =	vunpack.i.u.bf16.f32 v1;
	v14 =	vunpack.i.l.bf16.f32 v1;
	v1 =	vbroadcast v12, $0x0  }
0x86: {  	v12 =	vld [tilespmem:s24+$0xFFFFFF90];
	v15 =	vunpack.i.u.bf16.f32 v3;
	v3 =	vunpack.i.l.bf16.f32 v3;
	v9 =	vadd.f32 v14, v9  }
0x87: {  	v16 =	vsub.bf16 v16, v19;
	v11 =	vsub.bf16 v11, v17;
	v14 =	vld [tilespmem:s28+$0xFFFFFFA0]  }
0x88: {  	v4 =	vsub.bf16 v21, v4;
	v17 =	vld [tilespmem:s24+$0xFFFFFFA0];
	v10 =	vsub.bf16 v10, v13  }
0x89: {  	v16 =	vmul.bf16 v16, v16;
	v3 =	vadd.f32 v3, v15;
	v11 =	vmul.bf16 v11, v11;
	v13 =	vld [tilespmem:s28+$0xFFFFFFB0]  }
0x8a: {  	v4 =	vmul.bf16 v4, v4;
	v7 =	vadd.f32 v9, v7;
	v15 =	vld [tilespmem:s24+$0xFFFFFFB0];
	v10 =	vmul.bf16 v10, v10  }
0x8b: {  	v11 =	vadd.bf16 v11, v16;
	v8 =	vsub.bf16 v8, v12;
	v9 =	vld [tilespmem:s28+$0xFFFFFFC0]  }
0x8c: {  	v2 =	vadd.f32 v2, v3;
	v12 =	vld [tilespmem:s24+$0xFFFFFFC0];
	v4 =	vadd.bf16 v10, v4  }
0x8d: {  	v8 =	vmul.bf16 v8, v8;
	v3 =	vsub.bf16 v14, v17;
	v10 =	vld [tilespmem:s28+$0xFFFFFFD0];
	v14 =	vunpack.i.u.bf16.f32 v11;
	v16, _, _ =	vpop (xrf2)  }
0x8e: {  	v11 =	vunpack.i.l.bf16.f32 v11;
	v17 =	vld [tilespmem:s24+$0xFFFFFFD0];
	v18 =	vunpack.i.u.bf16.f32 v4;
	v4 =	vunpack.i.l.bf16.f32 v4;
	(xrf2) =	vadd.scan.msk.f32 $0xffff, v2  }
0x8f: {  	v11 =	vadd.f32 v11, v14;
	v3 =	vmul.bf16 v3, v3;
	v2 =	vld [tilespmem:s28+$0xFFFFFFE0];
	v4 =	vadd.f32 v4, v18  }
0x90: {  	v13 =	vsub.bf16 v13, v15;
	v14 =	vld [tilespmem:s24+$0xFFFFFFE0];
	[tilespmem:v5+s0+$0x0] =	vst.idx.msk vm0, v16  }
0x91: {  	v5 =	vsub.bf16 v9, v12;
	v9 =	vld [tilespmem:s28+$0xFFFFFFF0];
	v4 =	vadd.f32 v4, v11  }
0x92: {  	v11 =	vmul.bf16 v13, v13;
	v12 =	vld [tilespmem:s24+$0xFFFFFFF0]  }
0x93: {  	v5 =	vmul.bf16 v5, v5;
	v10 =	vsub.bf16 v10, v17;
	v13 =	vld [tilespmem:s28+$0x0];
	(xrf2) =	vadd.scan.msk.f32 $0xffff, v4  }
0x94: {  	v4 =	vadd.bf16 v11, v8;
	v8 =	vld [tilespmem:s24+$0x0]  }
0x95: {  	v10 =	vmul.bf16 v10, v10;
	v11 =	vsub.bf16 v2, v14;
	v15 =	vld [tilespmem:s28+$0x10]  }
0x96: {  	v2 =	vunpack.i.u.bf16.f32 v4;
	v4 =	vunpack.i.l.bf16.f32 v4;
	v16 =	vld [tilespmem:s24+$0x10];
	(xrf2) =	vadd.scan.msk.f32 $0xffff, v7  }
.Ltmp0:
0x97: {  	s4 =	sadd.s32 s10, s21;
	v2 =	vadd.f32 v4, v2;
	v11 =	vmul.bf16 v11, v11;
	v4 =	vsub.bf16 v9, v12;
	v7 =	vld [tilespmem:s28+$0x20];
	(pc) =	sbr.rel @p1 .LBB2_3-.Ltmp0, $4  }
0x98: {  	s5 =	sadd.s32 $0x4, s4;
	s6 =	sadd.s32 $0x5, s4;
	s7 =	sadd.s32 $0x7, s4;
	v9 =	vld [tilespmem:s24+$0x20];
	v12, _, _ =	vpop (xrf2)  }
0x99: {  	s10 =	sadd.s32 $0x6, s4;
	v17 =	vmul.bf16 v4, v4;
	v18 =	vsub.bf16 v13, v8;
	v8 =	vld [tilespmem:s28+$0x30];
	v4 =	vmov s7;
	[tilespmem:v6+s0+$0x0] =	vst.idx.msk vm0, v12  }
0x9a: {  	v6 =	vmov s5;
	v14 =	vadd.bf16 v11, v5;
	v5 =	vmov s6;
	v11 =	vld [tilespmem:s24+$0x30]  }
0x9b: {  	v12 =	vld [tilespmem:s28+$0xFFFFFF80];
	v13 =	vadd.bf16 v17, v10;
	v10 =	vmul.bf16 v18, v18;
	v15 =	vsub.bf16 v15, v16;
	s28 =	sadd.s32 $0x100, s28  }
0x9c: {  	_ =	sdelay $0x2  }
0x9d: {  	v16 =	vunpack.i.u.bf16.f32 v14;
	v7 =	vsub.bf16 v7, v9  }
0x9e: {  	v9 =	vunpack.i.l.bf16.f32 v14;
	v14 =	vunpack.i.u.bf16.f32 v13;
	v0 =	vsub.bf16 v12, v0  }
0x9f: {  	v9 =	vadd.f32 v9, v16;
	v7 =	vmul.bf16 v7, v7;
	v8 =	vsub.bf16 v8, v11  }
0xa0: {  	v11 =	vunpack.i.l.bf16.f32 v13;
	v12 =	vmul.bf16 v15, v15;
	v0 =	vmul.bf16 v0, v0  }
0xa1: {  	v11 =	vadd.f32 v11, v14;
	v7 =	vadd.bf16 v7, v10;
	v8 =	vmul.bf16 v8, v8  }
0xa2: {  	v0 =	vadd.bf16 v3, v0  }
0xa3: {  	v8 =	vadd.bf16 v8, v12;
	v3 =	vadd.f32 v11, v9;
	v9 =	vunpack.i.u.bf16.f32 v7  }
0xa4: {  	v7 =	vunpack.i.l.bf16.f32 v7;
	v10 =	vunpack.i.u.bf16.f32 v0;
	v0 =	vunpack.i.l.bf16.f32 v0  }
0xa5: {  	v11 =	vunpack.i.u.bf16.f32 v8;
	v8 =	vunpack.i.l.bf16.f32 v8;
	v0 =	vadd.f32 v0, v10  }
0xa6: {  	v7 =	vadd.f32 v7, v9;
	v8 =	vadd.f32 v8, v11  }
0xa7: {  	v0 =	vadd.f32 v2, v0  }
0xa8: {  	(xrf2) =	vadd.scan.msk.f32 $0xffff, v3;
	v2 =	vadd.f32 v8, v7  }
0xa9: {  	(xrf2) =	vadd.scan.msk.f32 $0xffff, v0  }
0xaa: {  	(xrf2) =	vadd.scan.msk.f32 $0xffff, v2;
	_ =	sdelay $0x1  }
0xab: {  	v0 =	vand.u32 $0xFFFFFFFD, v5  }
0xac: {  	v3 =	vand.u32 $0xFFFFFFFC, v6;
	v2 =	vmov s10;
	v0 =	vbroadcast v0, $0x0  }
0xad: {  	v3 =	vbroadcast v3, $0x0;
	v2 =	vand.u32 $0xFFFFFFFE, v2  }
0xae: {  	v2 =	vbroadcast v2, $0x0  }
0xaf: {  	v5, _, _ =	vpop (xrf2)  }
0xb0: {  	v6, _, _ =	vpop (xrf2);
	[tilespmem:v4+s0+$0x0] =	vst.idx.msk vm0, v5  }
0xb1: {  	[tilespmem:v1+s0+$0x0] =	vst.idx.msk vm0, v6;
	v1, _, _ =	vpop (xrf2)  }
0xb2: {  	[tilespmem:v0+s0+$0x0] =	vst.idx.msk vm0, v1;
	v0, _, _ =	vpop (xrf2)  }
0xb3: {  	p1 =	seq.s32 s22, $0x18;
	[tilespmem:v3+s0+$0x0] =	vst.idx.msk vm0, v0;
	v0, _, _ =	vpop (xrf2)  }
0xb4: {  	s4 =	sadd.s32 @!p1 $0x190, s23;
	s5 =	simm.s32 @!p1 $0x50;
	s6 =	simm.s32 @!p1 $0x4E20;
	[tilespmem:v2+s0+$0x0] =	vst.idx.msk vm0, v0  }
0xb5: {  	[tilespmem:s6], [sflag:$0x1] =	stream.indirect.gather @!p1 [hbm4b:s3+s5], $0x40, s4, s5, $0xb8;
	[tilespmem:$0x1D970] =	vst v63  }
0xb6: {  	s4 =	sadd.s32 @!p1 $0x28A0, s23;
	s6 =	simm.s32 @!p1 $0x6220  }
0xb7: {  	[tilespmem:s6], [sflag:$0x2] =	stream.indirect.gather @!p1 [spmem:s1], $0x40, s4, s5, $0xb8;
	[tilespmem:$0x1D970] =	vst v63  }
0xb8: {  	_ =	swait.ge [sflag:s12], $0x1400  }
0xb9: {  	[sflag:s12] =	ssyncset.done $0x0  }
0xba: {  	[sflag:s12] =	ssyncadd.s32 $0xFFFFEC00  }
0xbb: {  	_ =	swait.ge [sflag:s13], $0x1400  }
0xbc: {  	[sflag:s13] =	ssyncset.done $0x0  }
0xbd: {  	s6 =	simm.s32 $0x76A0;
	[sflag:s13] =	ssyncadd.s32 $0xFFFFEC00  }
0xbe: {  	s7 =	simm.s32 $0x8AA0;
	v0 =	vld [tilespmem:s6+$0x40]  }
0xbf: {  	v1 =	vld [tilespmem:s7+$0x40]  }
0xc0: {  	v2 =	vld [tilespmem:s6+$0x50]  }
0xc1: {  	v3 =	vld [tilespmem:s7+$0x50]  }
0xc2: {  	v4 =	vld [tilespmem:s6+$0x60]  }
0xc3: {  	v5 =	vld [tilespmem:s7+$0x60]  }
0xc4: {  	v6 =	vld [tilespmem:s6+$0x70]  }
0xc5: {  	v7 =	vld [tilespmem:s7+$0x70]  }
0xc6: {  	v9 =	vld [tilespmem:s6+$0xFFFFFF90]  }
0xc7: {  	v10 =	vld [tilespmem:s7+$0xFFFFFF90]  }
0xc8: {  	v11 =	vld [tilespmem:s6+$0xFFFFFFA0]  }
0xc9: {  	v12 =	vld [tilespmem:s7+$0xFFFFFFA0]  }
0xca: {  	v13 =	vld [tilespmem:s6+$0xFFFFFFB0]  }
0xcb: {  	v14 =	vld [tilespmem:s7+$0xFFFFFFB0]  }
0xcc: {  	v15 =	vld [tilespmem:s6+$0xFFFFFFC0]  }
0xcd: {  	v16 =	vld [tilespmem:s7+$0xFFFFFFC0]  }
0xce: {  	v17 =	vld [tilespmem:s6+$0xFFFFFFD0]  }
0xcf: {  	v18 =	vld [tilespmem:s7+$0xFFFFFFD0]  }
0xd0: {  	v21 =	vld [tilespmem:s7+$0x20]  }
0xd1: {  	v0 =	vsub.bf16 v0, v1;
	v1 =	vsub.bf16 v4, v5;
	v4 =	vld [tilespmem:s6+$0xFFFFFFF0]  }
0xd2: {  	v5 =	vld [tilespmem:s7+$0xFFFFFFF0]  }
0xd3: {  	v2 =	vsub.bf16 v2, v3;
	v3 =	vsub.bf16 v6, v7;
	v6 =	vld [tilespmem:s6+$0x0]  }
0xd4: {  	v7 =	vsub.bf16 v9, v10;
	v9 =	vld [tilespmem:s7+$0x0]  }
0xd5: {  	v10 =	vsub.bf16 v11, v12;
	v12 =	vsub.bf16 v13, v14;
	v13 =	vld [tilespmem:s6+$0x20]  }
0xd6: {  	v19 =	vld [tilespmem:s6+$0xFFFFFFE0];
	v0 =	vmul.bf16 v0, v0;
	v1 =	vmul.bf16 v1, v1  }
0xd7: {  	s24 =	simm.s32 $0x8BA0;
	v20 =	vld [tilespmem:s7+$0xFFFFFFE0];
	v2 =	vmul.bf16 v2, v2;
	v3 =	vmul.bf16 v3, v3  }
0xd8: {  	v51 =	vld [tilespmem:s24+$0x40];
	v0 =	vadd.bf16 v1, v0  }
0xd9: {  	v1 =	vld [tilespmem:s6+$0x10];
	v2 =	vadd.bf16 v3, v2;
	v4 =	vsub.bf16 v4, v5  }
0xda: {  	s28 =	simm.s32 $0x77A0;
	v3 =	vmul.bf16 v7, v7;
	v7 =	vld [tilespmem:s7+$0x10];
	v6 =	vsub.bf16 v6, v9;
	v13 =	vsub.bf16 v13, v21  }
0xdb: {  	v5 =	vld [tilespmem:s28+$0x40];
	v11 =	vunpack.i.u.bf16.f32 v0;
	v0 =	vunpack.i.l.bf16.f32 v0;
	v14 =	vunpack.i.u.bf16.f32 v2  }
0xdc: {  	v2 =	vunpack.i.l.bf16.f32 v2;
	v0 =	vadd.f32 v0, v11;
	v11 =	vmul.bf16 v12, v12;
	v12 =	vld [tilespmem:s6+$0x30]  }
0xdd: {  	s10 =	sadd.s32 $0xFFFFFFFC, s21;
	v10 =	vmul.bf16 v10, v10;
	v2 =	vadd.f32 v2, v14;
	v14 =	vsub.bf16 v15, v16;
	v16 =	vld [tilespmem:s7+$0x30]  }
0xde: {  	v15 =	vsub.bf16 v17, v18;
	v17 =	vld [tilespmem:s6+$0xFFFFFF80];
	v4 =	vmul.bf16 v4, v4;
	v6 =	vmul.bf16 v6, v6;
	s6 =	sadd.s32 $0x54, s10  }
0xdf: {  	v8 =	vld [tilespmem:s7+$0xFFFFFF80];
	v13 =	vmul.bf16 v13, v13;
	v22 =	vmov s6;
	v3 =	vadd.bf16 v11, v3  }
0xe0: {  	v52 =	vld [tilespmem:s24+$0x60];
	v11 =	vsub.bf16 v19, v20;
	v2 =	vadd.f32 v2, v0;
	v0 =	vmul.bf16 v14, v14  }
0xe1: {  	v54 =	vld [tilespmem:s28+$0x70];
	v14 =	vmul.bf16 v15, v15;
	v1 =	vsub.bf16 v1, v7;
	v6 =	vadd.bf16 v13, v6  }
0xe2: {  	v9 =	vld [tilespmem:s28+$0x50];
	v5 =	vsub.bf16 v5, v51;
	v15 =	vunpack.i.u.bf16.f32 v3;
	v11 =	vmul.bf16 v11, v11  }
0xe3: {  	v3 =	vunpack.i.l.bf16.f32 v3;
	v4 =	vadd.bf16 v4, v14;
	v14 =	vld [tilespmem:s28+$0x60];
	v12 =	vsub.bf16 v12, v16  }
0xe4: {  	v1 =	vmul.bf16 v1, v1;
	v16 =	vld [tilespmem:s24+$0x70];
	v8 =	vsub.bf16 v17, v8;
	v0 =	vadd.bf16 v11, v0  }
0xe5: {  	v11 =	vld [tilespmem:s24+$0x50];
	v53 =	vunpack.i.u.bf16.f32 v4;
	v4 =	vunpack.i.l.bf16.f32 v4;
	v12 =	vmul.bf16 v12, v12  }
0xe6: {  	v4 =	vadd.f32 v4, v53;
	v7 =	vunpack.i.u.bf16.f32 v0;
	v0 =	vunpack.i.l.bf16.f32 v0  }
0xe7: {  	(xrf2) =	vadd.scan.msk.f32 $0xffff, v2;
	v2 =	vand.u32 $0xFFFFFFFC, v22;
	v7 =	vadd.f32 v0, v7;
	v1 =	vadd.bf16 v12, v1  }
0xe8: {  	v55 =	vld [tilespmem:s28+$0xFFFFFFA0];
	v12 =	vunpack.i.u.bf16.f32 v6;
	v6 =	vunpack.i.l.bf16.f32 v6;
	v14 =	vsub.bf16 v14, v52  }
0xe9: {  	v56 =	vld [tilespmem:s28+$0xFFFFFFB0];
	v6 =	vadd.f32 v6, v12;
	v4 =	vadd.f32 v4, v7;
	v7 =	vmul.bf16 v8, v8  }
0xea: {  	v13 =	vld [tilespmem:s28+$0xFFFFFF90];
	v5 =	vmul.bf16 v5, v5;
	v16 =	vsub.bf16 v54, v16;
	v9 =	vsub.bf16 v9, v11  }
0xeb: {  	v8 =	vld [tilespmem:s24+$0xFFFFFF90];
	v7 =	vadd.bf16 v10, v7;
	(xrf2) =	vadd.scan.msk.f32 $0xffff, v4;
	v4 =	vunpack.i.u.bf16.f32 v1;
	v1 =	vunpack.i.l.bf16.f32 v1  }
0xec: {  	v58 =	vld [tilespmem:s28+$0xFFFFFFC0];
	v14 =	vmul.bf16 v14, v14;
	v4 =	vadd.f32 v1, v4;
	v1 =	vmul.bf16 v9, v9  }
0xed: {  	s7 =	sadd.s32 $0x55, s10;
	v12 =	vld [tilespmem:s24+$0xFFFFFFA0];
	v9 =	vmul.bf16 v16, v16;
	v57 =	vunpack.i.u.bf16.f32 v7;
	v7 =	vunpack.i.l.bf16.f32 v7  }
0xee: {  	v59 =	vld [tilespmem:s24+$0xFFFFFFC0];
	v3 =	vadd.f32 v3, v15;
	v17 =	vmov s7;
	v7 =	vadd.f32 v7, v57  }
0xef: {  	v22 =	vbroadcast v2, $0x0;
	v11 =	vld [tilespmem:s24+$0xFFFFFFB0];
	v5 =	vadd.bf16 v14, v5;
	v1 =	vadd.bf16 v9, v1  }
0xf0: {  	v61 =	vld [tilespmem:s28+$0x0];
	v17 =	vand.u32 $0xFFFFFFFD, v17;
	v2 =	vsub.bf16 v13, v8;
	v3 =	vadd.f32 v3, v7  }
0xf1: {  	v14 =	vld [tilespmem:s28+$0xFFFFFFF0];
	v13 =	vbroadcast v17, $0x0;
	v17 =	vunpack.i.u.bf16.f32 v1;
	v1 =	vunpack.i.l.bf16.f32 v1  }
0xf2: {  	v16 =	vld [tilespmem:s24+$0xFFFFFFD0];
	(xrf2) =	vadd.scan.msk.f32 $0xffff, v3;
	v3 =	vsub.bf16 v55, v12;
	v12 =	vunpack.i.u.bf16.f32 v5;
	v5 =	vunpack.i.l.bf16.f32 v5  }
0xf3: {  	s25 =	sadd.s32 $0x57, s10;
	v8 =	vld [tilespmem:s28+$0xFFFFFFE0];
	v17 =	vadd.f32 v1, v17;
	v5 =	vadd.f32 v5, v12  }
0xf4: {  	s4 =	sadd.s32 $0x56, s10;
	v15 =	vmov s25;
	v9 =	vld [tilespmem:s24+$0xFFFFFFE0];
	v11 =	vsub.bf16 v56, v11  }
0xf5: {  	v10 =	vmov s4;
	v7 =	vld [tilespmem:s28+$0xFFFFFFD0];
	v5 =	vadd.f32 v17, v5  }
0xf6: {  	v10 =	vand.u32 $0xFFFFFFFE, v10;
	v11 =	vmul.bf16 v11, v11;
	v12 =	vld [tilespmem:s24+$0xFFFFFFF0]  }
0xf7: {  	v60, _, _ =	vpop (xrf2);
	v2 =	vmul.bf16 v2, v2;
	v1 =	vbroadcast v10, $0x0;
	v10 =	vadd.f32 v4, v6;
	v6 =	vld [tilespmem:s24+$0x0];
	(xrf2) =	vadd.scan.msk.f32 $0xffff, v5  }
0xf8: {  	v0 =	vld [tilespmem:s24+$0xFFFFFF80];
	v4 =	vsub.bf16 v58, v59  }
0xf9: {  	[tilespmem:v15+s0+$0x0] =	vst.idx.msk vm0, v60;
	v15 =	vld [tilespmem:s28+$0x10];
	v2 =	vadd.bf16 v11, v2;
	v8 =	vsub.bf16 v8, v9  }
0xfa: {  	v3 =	vmul.bf16 v3, v3;
	v11, _, _ =	vpop (xrf2);
	v17 =	vmul.bf16 v4, v4;
	v4 =	vsub.bf16 v7, v16;
	v16 =	vld [tilespmem:s24+$0x10];
	(xrf2) =	vadd.scan.msk.f32 $0xffff, v10  }
0xfb: {  	s4 =	sadd.s32 $0x0, s21;
	v9 =	vunpack.i.u.bf16.f32 v2;
	v2 =	vunpack.i.l.bf16.f32 v2;
	v7 =	vld [tilespmem:s28+$0x20];
	[tilespmem:v13+s0+$0x0] =	vst.idx.msk vm0, v11;
	v11 =	vsub.bf16 v14, v12  }
0xfc: {  	s10 =	sadd.s32 $0x57, s4;
	v2 =	vadd.f32 v2, v9;
	v9 =	vld [tilespmem:s24+$0x20];
	v63 =	vsub.bf16 v61, v6;
	v12 =	vmul.bf16 v8, v8  }
0xfd: {  	s25 =	sadd.s32 $0x54, s4;
	v13 =	vmul.bf16 v4, v4;
	v4 =	vmov s10;
	v8 =	vld [tilespmem:s28+$0x30];
	v62 =	vmul.bf16 v11, v11  }
0xfe: {  	s7 =	sadd.s32 $0x55, s4;
	v6 =	vmov s25;
	v10 =	vmul.bf16 v63, v63;
	v14 =	vadd.bf16 v12, v17;
	v11 =	vld [tilespmem:s24+$0x30];
	v5, _, _ =	vpop (xrf2)  }
0xff: {  	s25 =	simm.s32 $0x4;
	s10 =	sadd.s32 $0x56, s4;
	v12 =	vld [tilespmem:s28+$0xFFFFFF80];
	v15 =	vsub.bf16 v15, v16;
	s28 =	simm.s32 $0x78A0;
	v13 =	vadd.bf16 v62, v13;
	[tilespmem:v22+s0+$0x0] =	vst.idx.msk vm0, v5;
	v5 =	vmov s7  }
.LBB2_5:
0x100: {  	v16 =	vld [tilespmem:s28+$0x40];
	v17 =	vunpack.i.u.bf16.f32 v14;
	v14 =	vunpack.i.l.bf16.f32 v14;
	v18 =	vmov s10;
	s24 =	sadd.s32 $0x100, s24;
	s10 =	smov.u32 s25  }
0x101: {  	v19 =	vld [tilespmem:s24+$0x40];
	v20 =	vunpack.i.u.bf16.f32 v13;
	v15 =	vmul.bf16 v15, v15;
	v7 =	vsub.bf16 v7, v9;
	v9, _, _ =	vpop (xrf2)  }
0x102: {  	v6 =	vand.u32 $0xFFFFFFFC, v6;
	v22 =	vunpack.i.l.bf16.f32 v13;
	v14 =	vadd.f32 v14, v17;
	v21 =	vld [tilespmem:s28+$0x50];
	[tilespmem:v4+s0+$0x0] =	vst.idx.msk vm0, v9  }
0x103: {  	v9 =	vadd.f32 v22, v20;
	v4 =	vld [tilespmem:s24+$0x50];
	v7 =	vmul.bf16 v7, v7;
	v8 =	vsub.bf16 v8, v11  }
0x104: {  	v5 =	vand.u32 $0xFFFFFFFD, v5;
	v11 =	vld [tilespmem:s28+$0x60];
	v0 =	vsub.bf16 v12, v0;
	v12 =	vand.u32 $0xFFFFFFFE, v18;
	v13, _, _ =	vpop (xrf2)  }
0x105: {  	v9 =	vadd.f32 v9, v14;
	v17 =	vld [tilespmem:s24+$0x60];
	v7 =	vadd.bf16 v7, v10;
	v8 =	vmul.bf16 v8, v8  }
0x106: {  	v6 =	vbroadcast v6, $0x0;
	v10 =	vld [tilespmem:s28+$0x70];
	v14 =	vmul.bf16 v0, v0;
	[tilespmem:v1+s0+$0x0] =	vst.idx.msk vm0, v13  }
0x107: {  	s25 =	sadd.s32 $0x4, s25;
	v13 =	vld [tilespmem:s24+$0x70];
	v1 =	vadd.bf16 v8, v15;
	v8 =	vunpack.i.u.bf16.f32 v7;
	v7 =	vunpack.i.l.bf16.f32 v7;
	(xrf2) =	vadd.scan.msk.f32 $0xffff, v9  }
0x108: {  	p2 =	slt.u32 s25, $0x4C;
	v5 =	vbroadcast v5, $0x0;
	v0 =	vld [tilespmem:s24+$0xFFFFFF80];
	v3 =	vadd.bf16 v3, v14;
	v7 =	vadd.f32 v7, v8  }
0x109: {  	v8 =	vld [tilespmem:s28+$0xFFFFFF90];
	v9 =	vunpack.i.u.bf16.f32 v1;
	v14 =	vunpack.i.l.bf16.f32 v1;
	v1 =	vbroadcast v12, $0x0  }
0x10a: {  	v12 =	vld [tilespmem:s24+$0xFFFFFF90];
	v15 =	vunpack.i.u.bf16.f32 v3;
	v3 =	vunpack.i.l.bf16.f32 v3;
	v9 =	vadd.f32 v14, v9  }
0x10b: {  	v16 =	vsub.bf16 v16, v19;
	v11 =	vsub.bf16 v11, v17;
	v14 =	vld [tilespmem:s28+$0xFFFFFFA0]  }
0x10c: {  	v4 =	vsub.bf16 v21, v4;
	v17 =	vld [tilespmem:s24+$0xFFFFFFA0];
	v10 =	vsub.bf16 v10, v13  }
0x10d: {  	v16 =	vmul.bf16 v16, v16;
	v3 =	vadd.f32 v3, v15;
	v11 =	vmul.bf16 v11, v11;
	v13 =	vld [tilespmem:s28+$0xFFFFFFB0]  }
0x10e: {  	v4 =	vmul.bf16 v4, v4;
	v7 =	vadd.f32 v9, v7;
	v15 =	vld [tilespmem:s24+$0xFFFFFFB0];
	v10 =	vmul.bf16 v10, v10  }
0x10f: {  	v11 =	vadd.bf16 v11, v16;
	v8 =	vsub.bf16 v8, v12;
	v9 =	vld [tilespmem:s28+$0xFFFFFFC0]  }
0x110: {  	v2 =	vadd.f32 v2, v3;
	v12 =	vld [tilespmem:s24+$0xFFFFFFC0];
	v4 =	vadd.bf16 v10, v4  }
0x111: {  	v8 =	vmul.bf16 v8, v8;
	v3 =	vsub.bf16 v14, v17;
	v10 =	vld [tilespmem:s28+$0xFFFFFFD0];
	v14 =	vunpack.i.u.bf16.f32 v11;
	v16, _, _ =	vpop (xrf2)  }
0x112: {  	v11 =	vunpack.i.l.bf16.f32 v11;
	v17 =	vld [tilespmem:s24+$0xFFFFFFD0];
	v18 =	vunpack.i.u.bf16.f32 v4;
	v4 =	vunpack.i.l.bf16.f32 v4;
	(xrf2) =	vadd.scan.msk.f32 $0xffff, v2  }
0x113: {  	v11 =	vadd.f32 v11, v14;
	v3 =	vmul.bf16 v3, v3;
	v2 =	vld [tilespmem:s28+$0xFFFFFFE0];
	v4 =	vadd.f32 v4, v18  }
0x114: {  	v13 =	vsub.bf16 v13, v15;
	v14 =	vld [tilespmem:s24+$0xFFFFFFE0];
	[tilespmem:v5+s0+$0x0] =	vst.idx.msk vm0, v16  }
0x115: {  	v5 =	vsub.bf16 v9, v12;
	v9 =	vld [tilespmem:s28+$0xFFFFFFF0];
	v4 =	vadd.f32 v4, v11  }
0x116: {  	v11 =	vmul.bf16 v13, v13;
	v12 =	vld [tilespmem:s24+$0xFFFFFFF0]  }
0x117: {  	v5 =	vmul.bf16 v5, v5;
	v10 =	vsub.bf16 v10, v17;
	v13 =	vld [tilespmem:s28+$0x0];
	(xrf2) =	vadd.scan.msk.f32 $0xffff, v4  }
0x118: {  	v4 =	vadd.bf16 v11, v8;
	v8 =	vld [tilespmem:s24+$0x0]  }
0x119: {  	v10 =	vmul.bf16 v10, v10;
	v11 =	vsub.bf16 v2, v14;
	v15 =	vld [tilespmem:s28+$0x10]  }
0x11a: {  	v2 =	vunpack.i.u.bf16.f32 v4;
	v4 =	vunpack.i.l.bf16.f32 v4;
	v16 =	vld [tilespmem:s24+$0x10];
	(xrf2) =	vadd.scan.msk.f32 $0xffff, v7  }
.Ltmp1:
0x11b: {  	s4 =	sadd.s32 s10, s21;
	v2 =	vadd.f32 v4, v2;
	v11 =	vmul.bf16 v11, v11;
	v4 =	vsub.bf16 v9, v12;
	v7 =	vld [tilespmem:s28+$0x20];
	(pc) =	sbr.rel @p2 .LBB2_5-.Ltmp1, $4  }
0x11c: {  	s5 =	sadd.s32 $0x54, s4;
	s6 =	sadd.s32 $0x55, s4;
	s7 =	sadd.s32 $0x57, s4;
	v9 =	vld [tilespmem:s24+$0x20];
	v12, _, _ =	vpop (xrf2)  }
0x11d: {  	s10 =	sadd.s32 $0x56, s4;
	v17 =	vmul.bf16 v4, v4;
	v18 =	vsub.bf16 v13, v8;
	v8 =	vld [tilespmem:s28+$0x30];
	v4 =	vmov s7;
	[tilespmem:v6+s0+$0x0] =	vst.idx.msk vm0, v12  }
0x11e: {  	v6 =	vmov s5;
	v14 =	vadd.bf16 v11, v5;
	v5 =	vmov s6;
	v11 =	vld [tilespmem:s24+$0x30]  }
0x11f: {  	v12 =	vld [tilespmem:s28+$0xFFFFFF80];
	v13 =	vadd.bf16 v17, v10;
	v10 =	vmul.bf16 v18, v18;
	v15 =	vsub.bf16 v15, v16;
	s28 =	sadd.s32 $0x100, s28  }
0x120: {  	_ =	sdelay $0x2  }
0x121: {  	v16 =	vunpack.i.u.bf16.f32 v14;
	v7 =	vsub.bf16 v7, v9  }
0x122: {  	v9 =	vunpack.i.l.bf16.f32 v14;
	v14 =	vunpack.i.u.bf16.f32 v13;
	v0 =	vsub.bf16 v12, v0  }
0x123: {  	v9 =	vadd.f32 v9, v16;
	v7 =	vmul.bf16 v7, v7;
	v8 =	vsub.bf16 v8, v11  }
0x124: {  	v11 =	vunpack.i.l.bf16.f32 v13;
	v12 =	vmul.bf16 v15, v15;
	v0 =	vmul.bf16 v0, v0  }
0x125: {  	v11 =	vadd.f32 v11, v14;
	v7 =	vadd.bf16 v7, v10;
	v8 =	vmul.bf16 v8, v8  }
0x126: {  	v0 =	vadd.bf16 v3, v0  }
0x127: {  	v8 =	vadd.bf16 v8, v12;
	v3 =	vadd.f32 v11, v9;
	v9 =	vunpack.i.u.bf16.f32 v7  }
0x128: {  	v7 =	vunpack.i.l.bf16.f32 v7;
	v10 =	vunpack.i.u.bf16.f32 v0;
	v0 =	vunpack.i.l.bf16.f32 v0  }
0x129: {  	v11 =	vunpack.i.u.bf16.f32 v8;
	v8 =	vunpack.i.l.bf16.f32 v8;
	v0 =	vadd.f32 v0, v10  }
0x12a: {  	v7 =	vadd.f32 v7, v9;
	v8 =	vadd.f32 v8, v11  }
0x12b: {  	v0 =	vadd.f32 v2, v0  }
0x12c: {  	(xrf2) =	vadd.scan.msk.f32 $0xffff, v3;
	v2 =	vadd.f32 v8, v7  }
0x12d: {  	(xrf2) =	vadd.scan.msk.f32 $0xffff, v0  }
0x12e: {  	(xrf2) =	vadd.scan.msk.f32 $0xffff, v2;
	_ =	sdelay $0x1  }
0x12f: {  	v0 =	vand.u32 $0xFFFFFFFD, v5  }
0x130: {  	v3 =	vand.u32 $0xFFFFFFFC, v6;
	v2 =	vmov s10;
	v0 =	vbroadcast v0, $0x0  }
0x131: {  	v3 =	vbroadcast v3, $0x0;
	v2 =	vand.u32 $0xFFFFFFFE, v2  }
0x132: {  	v2 =	vbroadcast v2, $0x0  }
0x133: {  	v5, _, _ =	vpop (xrf2)  }
0x134: {  	v6, _, _ =	vpop (xrf2);
	[tilespmem:v4+s0+$0x0] =	vst.idx.msk vm0, v5  }
0x135: {  	[tilespmem:v1+s0+$0x0] =	vst.idx.msk vm0, v6;
	v1, _, _ =	vpop (xrf2)  }
0x136: {  	[tilespmem:v0+s0+$0x0] =	vst.idx.msk vm0, v1;
	v0, _, _ =	vpop (xrf2)  }
0x137: {  	[tilespmem:v3+s0+$0x0] =	vst.idx.msk vm0, v0;
	v0, _, _ =	vpop (xrf2)  }
0x138: {  	s4 =	sadd.s32 @!p1 $0x1E0, s23;
	s5 =	simm.s32 @!p1 $0x50;
	s6 =	simm.s32 @!p1 $0x7620;
	[tilespmem:v2+s0+$0x0] =	vst.idx.msk vm0, v0  }
0x139: {  	[tilespmem:s6], [sflag:$0x3] =	stream.indirect.gather @!p1 [hbm4b:s3+s5], $0x40, s4, s5, $0xb8;
	[tilespmem:$0x1D970] =	vst v63  }
0x13a: {  	s4 =	sadd.s32 @!p1 $0x28F0, s23;
	s6 =	simm.s32 @!p1 $0x8A20  }
0x13b: {  	[tilespmem:s6], [sflag:$0x4] =	stream.indirect.gather @!p1 [spmem:s1], $0x40, s4, s5, $0xb8;
	[tilespmem:$0x1D970] =	vst v63  }
0x13c: {  	_ =	swait.ge [sflag:s14], $0x1400  }
0x13d: {  	[sflag:s14] =	ssyncset.done $0x0  }
0x13e: {  	[sflag:s14] =	ssyncadd.s32 $0xFFFFEC00  }
0x13f: {  	_ =	swait.ge [sflag:s15], $0x1400  }
0x140: {  	[sflag:s15] =	ssyncset.done $0x0  }
0x141: {  	s6 =	simm.s32 $0x9EA0;
	[sflag:s15] =	ssyncadd.s32 $0xFFFFEC00  }
0x142: {  	s7 =	simm.s32 $0xB2A0;
	v0 =	vld [tilespmem:s6+$0x40]  }
0x143: {  	v1 =	vld [tilespmem:s7+$0x40]  }
0x144: {  	v2 =	vld [tilespmem:s6+$0x50]  }
0x145: {  	v3 =	vld [tilespmem:s7+$0x50]  }
0x146: {  	v4 =	vld [tilespmem:s6+$0x60]  }
0x147: {  	v5 =	vld [tilespmem:s7+$0x60]  }
0x148: {  	v6 =	vld [tilespmem:s6+$0x70]  }
0x149: {  	v7 =	vld [tilespmem:s7+$0x70]  }
0x14a: {  	v9 =	vld [tilespmem:s6+$0xFFFFFF90]  }
0x14b: {  	v10 =	vld [tilespmem:s7+$0xFFFFFF90]  }
0x14c: {  	v11 =	vld [tilespmem:s6+$0xFFFFFFA0]  }
0x14d: {  	v12 =	vld [tilespmem:s7+$0xFFFFFFA0]  }
0x14e: {  	v13 =	vld [tilespmem:s6+$0xFFFFFFB0]  }
0x14f: {  	v14 =	vld [tilespmem:s7+$0xFFFFFFB0]  }
0x150: {  	v15 =	vld [tilespmem:s6+$0xFFFFFFC0]  }
0x151: {  	v16 =	vld [tilespmem:s7+$0xFFFFFFC0]  }
0x152: {  	v17 =	vld [tilespmem:s6+$0xFFFFFFD0]  }
0x153: {  	v18 =	vld [tilespmem:s7+$0xFFFFFFD0]  }
0x154: {  	v21 =	vld [tilespmem:s7+$0x20]  }
0x155: {  	v0 =	vsub.bf16 v0, v1;
	v1 =	vsub.bf16 v4, v5;
	v4 =	vld [tilespmem:s6+$0xFFFFFFF0]  }
0x156: {  	v5 =	vld [tilespmem:s7+$0xFFFFFFF0]  }
0x157: {  	v2 =	vsub.bf16 v2, v3;
	v3 =	vsub.bf16 v6, v7;
	v6 =	vld [tilespmem:s6+$0x0]  }
0x158: {  	v7 =	vsub.bf16 v9, v10;
	v9 =	vld [tilespmem:s7+$0x0]  }
0x159: {  	v10 =	vsub.bf16 v11, v12;
	v12 =	vsub.bf16 v13, v14;
	v13 =	vld [tilespmem:s6+$0x20]  }
0x15a: {  	v19 =	vld [tilespmem:s6+$0xFFFFFFE0];
	v0 =	vmul.bf16 v0, v0;
	v1 =	vmul.bf16 v1, v1  }
0x15b: {  	s24 =	simm.s32 $0xB3A0;
	v20 =	vld [tilespmem:s7+$0xFFFFFFE0];
	v2 =	vmul.bf16 v2, v2;
	v3 =	vmul.bf16 v3, v3  }
0x15c: {  	v51 =	vld [tilespmem:s24+$0x40];
	v0 =	vadd.bf16 v1, v0  }
0x15d: {  	v1 =	vld [tilespmem:s6+$0x10];
	v2 =	vadd.bf16 v3, v2;
	v4 =	vsub.bf16 v4, v5  }
0x15e: {  	s28 =	simm.s32 $0x9FA0;
	v3 =	vmul.bf16 v7, v7;
	v7 =	vld [tilespmem:s7+$0x10];
	v6 =	vsub.bf16 v6, v9;
	v13 =	vsub.bf16 v13, v21  }
0x15f: {  	v5 =	vld [tilespmem:s28+$0x40];
	v11 =	vunpack.i.u.bf16.f32 v0;
	v0 =	vunpack.i.l.bf16.f32 v0;
	v14 =	vunpack.i.u.bf16.f32 v2  }
0x160: {  	v2 =	vunpack.i.l.bf16.f32 v2;
	v0 =	vadd.f32 v0, v11;
	v11 =	vmul.bf16 v12, v12;
	v12 =	vld [tilespmem:s6+$0x30]  }
0x161: {  	s10 =	sadd.s32 $0xFFFFFFFC, s21;
	v10 =	vmul.bf16 v10, v10;
	v2 =	vadd.f32 v2, v14;
	v14 =	vsub.bf16 v15, v16;
	v16 =	vld [tilespmem:s7+$0x30]  }
0x162: {  	v15 =	vsub.bf16 v17, v18;
	v17 =	vld [tilespmem:s6+$0xFFFFFF80];
	v4 =	vmul.bf16 v4, v4;
	v6 =	vmul.bf16 v6, v6;
	s6 =	sadd.s32 $0xA4, s10  }
0x163: {  	v8 =	vld [tilespmem:s7+$0xFFFFFF80];
	v13 =	vmul.bf16 v13, v13;
	v22 =	vmov s6;
	v3 =	vadd.bf16 v11, v3  }
0x164: {  	v52 =	vld [tilespmem:s24+$0x60];
	v11 =	vsub.bf16 v19, v20;
	v2 =	vadd.f32 v2, v0;
	v0 =	vmul.bf16 v14, v14  }
0x165: {  	v54 =	vld [tilespmem:s28+$0x70];
	v14 =	vmul.bf16 v15, v15;
	v1 =	vsub.bf16 v1, v7;
	v6 =	vadd.bf16 v13, v6  }
0x166: {  	v9 =	vld [tilespmem:s28+$0x50];
	v5 =	vsub.bf16 v5, v51;
	v15 =	vunpack.i.u.bf16.f32 v3;
	v11 =	vmul.bf16 v11, v11  }
0x167: {  	v3 =	vunpack.i.l.bf16.f32 v3;
	v4 =	vadd.bf16 v4, v14;
	v14 =	vld [tilespmem:s28+$0x60];
	v12 =	vsub.bf16 v12, v16  }
0x168: {  	v1 =	vmul.bf16 v1, v1;
	v16 =	vld [tilespmem:s24+$0x70];
	v8 =	vsub.bf16 v17, v8;
	v0 =	vadd.bf16 v11, v0  }
0x169: {  	v11 =	vld [tilespmem:s24+$0x50];
	v53 =	vunpack.i.u.bf16.f32 v4;
	v4 =	vunpack.i.l.bf16.f32 v4;
	v12 =	vmul.bf16 v12, v12  }
0x16a: {  	v4 =	vadd.f32 v4, v53;
	v7 =	vunpack.i.u.bf16.f32 v0;
	v0 =	vunpack.i.l.bf16.f32 v0  }
0x16b: {  	(xrf2) =	vadd.scan.msk.f32 $0xffff, v2;
	v2 =	vand.u32 $0xFFFFFFFC, v22;
	v7 =	vadd.f32 v0, v7;
	v1 =	vadd.bf16 v12, v1  }
0x16c: {  	v55 =	vld [tilespmem:s28+$0xFFFFFFA0];
	v12 =	vunpack.i.u.bf16.f32 v6;
	v6 =	vunpack.i.l.bf16.f32 v6;
	v14 =	vsub.bf16 v14, v52  }
0x16d: {  	v56 =	vld [tilespmem:s28+$0xFFFFFFB0];
	v6 =	vadd.f32 v6, v12;
	v4 =	vadd.f32 v4, v7;
	v7 =	vmul.bf16 v8, v8  }
0x16e: {  	v13 =	vld [tilespmem:s28+$0xFFFFFF90];
	v5 =	vmul.bf16 v5, v5;
	v16 =	vsub.bf16 v54, v16;
	v9 =	vsub.bf16 v9, v11  }
0x16f: {  	v8 =	vld [tilespmem:s24+$0xFFFFFF90];
	v7 =	vadd.bf16 v10, v7;
	(xrf2) =	vadd.scan.msk.f32 $0xffff, v4;
	v4 =	vunpack.i.u.bf16.f32 v1;
	v1 =	vunpack.i.l.bf16.f32 v1  }
0x170: {  	v58 =	vld [tilespmem:s28+$0xFFFFFFC0];
	v14 =	vmul.bf16 v14, v14;
	v4 =	vadd.f32 v1, v4;
	v1 =	vmul.bf16 v9, v9  }
0x171: {  	s7 =	sadd.s32 $0xA5, s10;
	v12 =	vld [tilespmem:s24+$0xFFFFFFA0];
	v9 =	vmul.bf16 v16, v16;
	v57 =	vunpack.i.u.bf16.f32 v7;
	v7 =	vunpack.i.l.bf16.f32 v7  }
0x172: {  	v59 =	vld [tilespmem:s24+$0xFFFFFFC0];
	v3 =	vadd.f32 v3, v15;
	v17 =	vmov s7;
	v7 =	vadd.f32 v7, v57  }
0x173: {  	v22 =	vbroadcast v2, $0x0;
	v11 =	vld [tilespmem:s24+$0xFFFFFFB0];
	v5 =	vadd.bf16 v14, v5;
	v1 =	vadd.bf16 v9, v1  }
0x174: {  	v61 =	vld [tilespmem:s28+$0x0];
	v17 =	vand.u32 $0xFFFFFFFD, v17;
	v2 =	vsub.bf16 v13, v8;
	v3 =	vadd.f32 v3, v7  }
0x175: {  	v14 =	vld [tilespmem:s28+$0xFFFFFFF0];
	v13 =	vbroadcast v17, $0x0;
	v17 =	vunpack.i.u.bf16.f32 v1;
	v1 =	vunpack.i.l.bf16.f32 v1  }
0x176: {  	v16 =	vld [tilespmem:s24+$0xFFFFFFD0];
	(xrf2) =	vadd.scan.msk.f32 $0xffff, v3;
	v3 =	vsub.bf16 v55, v12;
	v12 =	vunpack.i.u.bf16.f32 v5;
	v5 =	vunpack.i.l.bf16.f32 v5  }
0x177: {  	s25 =	sadd.s32 $0xA7, s10;
	v8 =	vld [tilespmem:s28+$0xFFFFFFE0];
	v17 =	vadd.f32 v1, v17;
	v5 =	vadd.f32 v5, v12  }
0x178: {  	s4 =	sadd.s32 $0xA6, s10;
	v15 =	vmov s25;
	v9 =	vld [tilespmem:s24+$0xFFFFFFE0];
	v11 =	vsub.bf16 v56, v11  }
0x179: {  	v10 =	vmov s4;
	v7 =	vld [tilespmem:s28+$0xFFFFFFD0];
	v5 =	vadd.f32 v17, v5  }
0x17a: {  	v10 =	vand.u32 $0xFFFFFFFE, v10;
	v11 =	vmul.bf16 v11, v11;
	v12 =	vld [tilespmem:s24+$0xFFFFFFF0]  }
0x17b: {  	v60, _, _ =	vpop (xrf2);
	v2 =	vmul.bf16 v2, v2;
	v1 =	vbroadcast v10, $0x0;
	v10 =	vadd.f32 v4, v6;
	v6 =	vld [tilespmem:s24+$0x0];
	(xrf2) =	vadd.scan.msk.f32 $0xffff, v5  }
0x17c: {  	v0 =	vld [tilespmem:s24+$0xFFFFFF80];
	v4 =	vsub.bf16 v58, v59  }
0x17d: {  	[tilespmem:v15+s0+$0x0] =	vst.idx.msk vm0, v60;
	v15 =	vld [tilespmem:s28+$0x10];
	v2 =	vadd.bf16 v11, v2;
	v8 =	vsub.bf16 v8, v9  }
0x17e: {  	v3 =	vmul.bf16 v3, v3;
	v11, _, _ =	vpop (xrf2);
	v17 =	vmul.bf16 v4, v4;
	v4 =	vsub.bf16 v7, v16;
	v16 =	vld [tilespmem:s24+$0x10];
	(xrf2) =	vadd.scan.msk.f32 $0xffff, v10  }
0x17f: {  	s4 =	sadd.s32 $0x0, s21;
	v9 =	vunpack.i.u.bf16.f32 v2;
	v2 =	vunpack.i.l.bf16.f32 v2;
	v7 =	vld [tilespmem:s28+$0x20];
	[tilespmem:v13+s0+$0x0] =	vst.idx.msk vm0, v11;
	v11 =	vsub.bf16 v14, v12  }
0x180: {  	s10 =	sadd.s32 $0xA7, s4;
	v2 =	vadd.f32 v2, v9;
	v9 =	vld [tilespmem:s24+$0x20];
	v63 =	vsub.bf16 v61, v6;
	v12 =	vmul.bf16 v8, v8  }
0x181: {  	s25 =	sadd.s32 $0xA4, s4;
	v13 =	vmul.bf16 v4, v4;
	v4 =	vmov s10;
	v8 =	vld [tilespmem:s28+$0x30];
	v62 =	vmul.bf16 v11, v11  }
0x182: {  	s7 =	sadd.s32 $0xA5, s4;
	v6 =	vmov s25;
	v10 =	vmul.bf16 v63, v63;
	v14 =	vadd.bf16 v12, v17;
	v11 =	vld [tilespmem:s24+$0x30];
	v5, _, _ =	vpop (xrf2)  }
0x183: {  	s25 =	simm.s32 $0x4;
	s10 =	sadd.s32 $0xA6, s4;
	v12 =	vld [tilespmem:s28+$0xFFFFFF80];
	v15 =	vsub.bf16 v15, v16;
	s28 =	simm.s32 $0xA0A0;
	v13 =	vadd.bf16 v62, v13;
	[tilespmem:v22+s0+$0x0] =	vst.idx.msk vm0, v5;
	v5 =	vmov s7  }
.LBB2_7:
0x184: {  	v16 =	vld [tilespmem:s28+$0x40];
	v17 =	vunpack.i.u.bf16.f32 v14;
	v14 =	vunpack.i.l.bf16.f32 v14;
	v18 =	vmov s10;
	s24 =	sadd.s32 $0x100, s24;
	s10 =	smov.u32 s25  }
0x185: {  	v19 =	vld [tilespmem:s24+$0x40];
	v20 =	vunpack.i.u.bf16.f32 v13;
	v15 =	vmul.bf16 v15, v15;
	v7 =	vsub.bf16 v7, v9;
	v9, _, _ =	vpop (xrf2)  }
0x186: {  	v6 =	vand.u32 $0xFFFFFFFC, v6;
	v22 =	vunpack.i.l.bf16.f32 v13;
	v14 =	vadd.f32 v14, v17;
	v21 =	vld [tilespmem:s28+$0x50];
	[tilespmem:v4+s0+$0x0] =	vst.idx.msk vm0, v9  }
0x187: {  	v9 =	vadd.f32 v22, v20;
	v4 =	vld [tilespmem:s24+$0x50];
	v7 =	vmul.bf16 v7, v7;
	v8 =	vsub.bf16 v8, v11  }
0x188: {  	v5 =	vand.u32 $0xFFFFFFFD, v5;
	v11 =	vld [tilespmem:s28+$0x60];
	v0 =	vsub.bf16 v12, v0;
	v12 =	vand.u32 $0xFFFFFFFE, v18;
	v13, _, _ =	vpop (xrf2)  }
0x189: {  	v9 =	vadd.f32 v9, v14;
	v17 =	vld [tilespmem:s24+$0x60];
	v7 =	vadd.bf16 v7, v10;
	v8 =	vmul.bf16 v8, v8  }
0x18a: {  	v6 =	vbroadcast v6, $0x0;
	v10 =	vld [tilespmem:s28+$0x70];
	v14 =	vmul.bf16 v0, v0;
	[tilespmem:v1+s0+$0x0] =	vst.idx.msk vm0, v13  }
0x18b: {  	s25 =	sadd.s32 $0x4, s25;
	v13 =	vld [tilespmem:s24+$0x70];
	v1 =	vadd.bf16 v8, v15;
	v8 =	vunpack.i.u.bf16.f32 v7;
	v7 =	vunpack.i.l.bf16.f32 v7;
	(xrf2) =	vadd.scan.msk.f32 $0xffff, v9  }
0x18c: {  	p2 =	slt.u32 s25, $0x4C;
	v5 =	vbroadcast v5, $0x0;
	v0 =	vld [tilespmem:s24+$0xFFFFFF80];
	v3 =	vadd.bf16 v3, v14;
	v7 =	vadd.f32 v7, v8  }
0x18d: {  	v8 =	vld [tilespmem:s28+$0xFFFFFF90];
	v9 =	vunpack.i.u.bf16.f32 v1;
	v14 =	vunpack.i.l.bf16.f32 v1;
	v1 =	vbroadcast v12, $0x0  }
0x18e: {  	v12 =	vld [tilespmem:s24+$0xFFFFFF90];
	v15 =	vunpack.i.u.bf16.f32 v3;
	v3 =	vunpack.i.l.bf16.f32 v3;
	v9 =	vadd.f32 v14, v9  }
0x18f: {  	v16 =	vsub.bf16 v16, v19;
	v11 =	vsub.bf16 v11, v17;
	v14 =	vld [tilespmem:s28+$0xFFFFFFA0]  }
0x190: {  	v4 =	vsub.bf16 v21, v4;
	v17 =	vld [tilespmem:s24+$0xFFFFFFA0];
	v10 =	vsub.bf16 v10, v13  }
0x191: {  	v16 =	vmul.bf16 v16, v16;
	v3 =	vadd.f32 v3, v15;
	v11 =	vmul.bf16 v11, v11;
	v13 =	vld [tilespmem:s28+$0xFFFFFFB0]  }
0x192: {  	v4 =	vmul.bf16 v4, v4;
	v7 =	vadd.f32 v9, v7;
	v15 =	vld [tilespmem:s24+$0xFFFFFFB0];
	v10 =	vmul.bf16 v10, v10  }
0x193: {  	v11 =	vadd.bf16 v11, v16;
	v8 =	vsub.bf16 v8, v12;
	v9 =	vld [tilespmem:s28+$0xFFFFFFC0]  }
0x194: {  	v2 =	vadd.f32 v2, v3;
	v12 =	vld [tilespmem:s24+$0xFFFFFFC0];
	v4 =	vadd.bf16 v10, v4  }
0x195: {  	v8 =	vmul.bf16 v8, v8;
	v3 =	vsub.bf16 v14, v17;
	v10 =	vld [tilespmem:s28+$0xFFFFFFD0];
	v14 =	vunpack.i.u.bf16.f32 v11;
	v16, _, _ =	vpop (xrf2)  }
0x196: {  	v11 =	vunpack.i.l.bf16.f32 v11;
	v17 =	vld [tilespmem:s24+$0xFFFFFFD0];
	v18 =	vunpack.i.u.bf16.f32 v4;
	v4 =	vunpack.i.l.bf16.f32 v4;
	(xrf2) =	vadd.scan.msk.f32 $0xffff, v2  }
0x197: {  	v11 =	vadd.f32 v11, v14;
	v3 =	vmul.bf16 v3, v3;
	v2 =	vld [tilespmem:s28+$0xFFFFFFE0];
	v4 =	vadd.f32 v4, v18  }
0x198: {  	v13 =	vsub.bf16 v13, v15;
	v14 =	vld [tilespmem:s24+$0xFFFFFFE0];
	[tilespmem:v5+s0+$0x0] =	vst.idx.msk vm0, v16  }
0x199: {  	v5 =	vsub.bf16 v9, v12;
	v9 =	vld [tilespmem:s28+$0xFFFFFFF0];
	v4 =	vadd.f32 v4, v11  }
0x19a: {  	v11 =	vmul.bf16 v13, v13;
	v12 =	vld [tilespmem:s24+$0xFFFFFFF0]  }
0x19b: {  	v5 =	vmul.bf16 v5, v5;
	v10 =	vsub.bf16 v10, v17;
	v13 =	vld [tilespmem:s28+$0x0];
	(xrf2) =	vadd.scan.msk.f32 $0xffff, v4  }
0x19c: {  	v4 =	vadd.bf16 v11, v8;
	v8 =	vld [tilespmem:s24+$0x0]  }
0x19d: {  	v10 =	vmul.bf16 v10, v10;
	v11 =	vsub.bf16 v2, v14;
	v15 =	vld [tilespmem:s28+$0x10]  }
0x19e: {  	v2 =	vunpack.i.u.bf16.f32 v4;
	v4 =	vunpack.i.l.bf16.f32 v4;
	v16 =	vld [tilespmem:s24+$0x10];
	(xrf2) =	vadd.scan.msk.f32 $0xffff, v7  }
.Ltmp2:
0x19f: {  	s4 =	sadd.s32 s10, s21;
	v2 =	vadd.f32 v4, v2;
	v11 =	vmul.bf16 v11, v11;
	v4 =	vsub.bf16 v9, v12;
	v7 =	vld [tilespmem:s28+$0x20];
	(pc) =	sbr.rel @p2 .LBB2_7-.Ltmp2, $4  }
0x1a0: {  	s5 =	sadd.s32 $0xA4, s4;
	s6 =	sadd.s32 $0xA5, s4;
	s7 =	sadd.s32 $0xA7, s4;
	v9 =	vld [tilespmem:s24+$0x20];
	v12, _, _ =	vpop (xrf2)  }
0x1a1: {  	s10 =	sadd.s32 $0xA6, s4;
	v17 =	vmul.bf16 v4, v4;
	v18 =	vsub.bf16 v13, v8;
	v8 =	vld [tilespmem:s28+$0x30];
	v4 =	vmov s7;
	[tilespmem:v6+s0+$0x0] =	vst.idx.msk vm0, v12  }
0x1a2: {  	v6 =	vmov s5;
	v14 =	vadd.bf16 v11, v5;
	v5 =	vmov s6;
	v11 =	vld [tilespmem:s24+$0x30]  }
0x1a3: {  	v12 =	vld [tilespmem:s28+$0xFFFFFF80];
	v13 =	vadd.bf16 v17, v10;
	v10 =	vmul.bf16 v18, v18;
	v15 =	vsub.bf16 v15, v16;
	s28 =	sadd.s32 $0x100, s28  }
0x1a4: {  	_ =	sdelay $0x2  }
0x1a5: {  	v16 =	vunpack.i.u.bf16.f32 v14;
	v7 =	vsub.bf16 v7, v9  }
0x1a6: {  	v9 =	vunpack.i.l.bf16.f32 v14;
	v14 =	vunpack.i.u.bf16.f32 v13;
	v0 =	vsub.bf16 v12, v0  }
0x1a7: {  	v9 =	vadd.f32 v9, v16;
	v7 =	vmul.bf16 v7, v7;
	v8 =	vsub.bf16 v8, v11  }
0x1a8: {  	v11 =	vunpack.i.l.bf16.f32 v13;
	v12 =	vmul.bf16 v15, v15;
	v0 =	vmul.bf16 v0, v0  }
0x1a9: {  	v11 =	vadd.f32 v11, v14;
	v7 =	vadd.bf16 v7, v10;
	v8 =	vmul.bf16 v8, v8  }
0x1aa: {  	v0 =	vadd.bf16 v3, v0  }
0x1ab: {  	v8 =	vadd.bf16 v8, v12;
	v3 =	vadd.f32 v11, v9;
	v9 =	vunpack.i.u.bf16.f32 v7  }
0x1ac: {  	v7 =	vunpack.i.l.bf16.f32 v7;
	v10 =	vunpack.i.u.bf16.f32 v0;
	v0 =	vunpack.i.l.bf16.f32 v0  }
0x1ad: {  	v11 =	vunpack.i.u.bf16.f32 v8;
	v8 =	vunpack.i.l.bf16.f32 v8;
	v0 =	vadd.f32 v0, v10  }
0x1ae: {  	v7 =	vadd.f32 v7, v9;
	v8 =	vadd.f32 v8, v11  }
0x1af: {  	v0 =	vadd.f32 v2, v0  }
0x1b0: {  	(xrf2) =	vadd.scan.msk.f32 $0xffff, v3;
	v2 =	vadd.f32 v8, v7  }
0x1b1: {  	(xrf2) =	vadd.scan.msk.f32 $0xffff, v0  }
0x1b2: {  	(xrf2) =	vadd.scan.msk.f32 $0xffff, v2;
	_ =	sdelay $0x1  }
0x1b3: {  	v0 =	vand.u32 $0xFFFFFFFD, v5  }
0x1b4: {  	v3 =	vand.u32 $0xFFFFFFFC, v6;
	v2 =	vmov s10;
	v0 =	vbroadcast v0, $0x0  }
0x1b5: {  	v3 =	vbroadcast v3, $0x0;
	v2 =	vand.u32 $0xFFFFFFFE, v2  }
0x1b6: {  	v2 =	vbroadcast v2, $0x0  }
0x1b7: {  	v5, _, _ =	vpop (xrf2)  }
0x1b8: {  	v6, _, _ =	vpop (xrf2);
	[tilespmem:v4+s0+$0x0] =	vst.idx.msk vm0, v5  }
0x1b9: {  	[tilespmem:v1+s0+$0x0] =	vst.idx.msk vm0, v6;
	v1, _, _ =	vpop (xrf2)  }
0x1ba: {  	[tilespmem:v0+s0+$0x0] =	vst.idx.msk vm0, v1;
	v0, _, _ =	vpop (xrf2)  }
0x1bb: {  	[tilespmem:v3+s0+$0x0] =	vst.idx.msk vm0, v0;
	v0, _, _ =	vpop (xrf2)  }
0x1bc: {  	s4 =	sadd.s32 @!p1 $0x230, s23;
	s5 =	simm.s32 @!p1 $0x50;
	s6 =	simm.s32 @!p1 $0x9E20;
	[tilespmem:v2+s0+$0x0] =	vst.idx.msk vm0, v0  }
0x1bd: {  	[tilespmem:s6], [sflag:$0x5] =	stream.indirect.gather @!p1 [hbm4b:s3+s5], $0x40, s4, s5, $0xb8;
	[tilespmem:$0x1D970] =	vst v63  }
0x1be: {  	s4 =	sadd.s32 @!p1 $0x2940, s23;
	s6 =	simm.s32 @!p1 $0xB220  }
0x1bf: {  	[tilespmem:s6], [sflag:$0x6] =	stream.indirect.gather @!p1 [spmem:s1], $0x40, s4, s5, $0xb8;
	[tilespmem:$0x1D970] =	vst v63  }
0x1c0: {  	_ =	swait.ge [sflag:s16], $0x1400  }
0x1c1: {  	[sflag:s16] =	ssyncset.done $0x0  }
0x1c2: {  	[sflag:s16] =	ssyncadd.s32 $0xFFFFEC00  }
0x1c3: {  	_ =	swait.ge [sflag:s17], $0x1400  }
0x1c4: {  	[sflag:s17] =	ssyncset.done $0x0  }
0x1c5: {  	s6 =	simm.s32 $0xC6A0;
	[sflag:s17] =	ssyncadd.s32 $0xFFFFEC00  }
0x1c6: {  	s7 =	simm.s32 $0xDAA0;
	v0 =	vld [tilespmem:s6+$0x40]  }
0x1c7: {  	v1 =	vld [tilespmem:s7+$0x40]  }
0x1c8: {  	v2 =	vld [tilespmem:s6+$0x50]  }
0x1c9: {  	v3 =	vld [tilespmem:s7+$0x50]  }
0x1ca: {  	v4 =	vld [tilespmem:s6+$0x60]  }
0x1cb: {  	v5 =	vld [tilespmem:s7+$0x60]  }
0x1cc: {  	v6 =	vld [tilespmem:s6+$0x70]  }
0x1cd: {  	v7 =	vld [tilespmem:s7+$0x70]  }
0x1ce: {  	v9 =	vld [tilespmem:s6+$0xFFFFFF90]  }
0x1cf: {  	v10 =	vld [tilespmem:s7+$0xFFFFFF90]  }
0x1d0: {  	v11 =	vld [tilespmem:s6+$0xFFFFFFA0]  }
0x1d1: {  	v12 =	vld [tilespmem:s7+$0xFFFFFFA0]  }
0x1d2: {  	v13 =	vld [tilespmem:s6+$0xFFFFFFB0]  }
0x1d3: {  	v14 =	vld [tilespmem:s7+$0xFFFFFFB0]  }
0x1d4: {  	v15 =	vld [tilespmem:s6+$0xFFFFFFC0]  }
0x1d5: {  	v16 =	vld [tilespmem:s7+$0xFFFFFFC0]  }
0x1d6: {  	v17 =	vld [tilespmem:s6+$0xFFFFFFD0]  }
0x1d7: {  	v18 =	vld [tilespmem:s7+$0xFFFFFFD0]  }
0x1d8: {  	v21 =	vld [tilespmem:s7+$0x20]  }
0x1d9: {  	v0 =	vsub.bf16 v0, v1;
	v1 =	vsub.bf16 v4, v5;
	v4 =	vld [tilespmem:s6+$0xFFFFFFF0]  }
0x1da: {  	v5 =	vld [tilespmem:s7+$0xFFFFFFF0]  }
0x1db: {  	v2 =	vsub.bf16 v2, v3;
	v3 =	vsub.bf16 v6, v7;
	v6 =	vld [tilespmem:s6+$0x0]  }
0x1dc: {  	v7 =	vsub.bf16 v9, v10;
	v9 =	vld [tilespmem:s7+$0x0]  }
0x1dd: {  	v10 =	vsub.bf16 v11, v12;
	v12 =	vsub.bf16 v13, v14;
	v13 =	vld [tilespmem:s6+$0x20]  }
0x1de: {  	v19 =	vld [tilespmem:s6+$0xFFFFFFE0];
	v0 =	vmul.bf16 v0, v0;
	v1 =	vmul.bf16 v1, v1  }
0x1df: {  	s24 =	simm.s32 $0xDBA0;
	v20 =	vld [tilespmem:s7+$0xFFFFFFE0];
	v2 =	vmul.bf16 v2, v2;
	v3 =	vmul.bf16 v3, v3  }
0x1e0: {  	v51 =	vld [tilespmem:s24+$0x40];
	v0 =	vadd.bf16 v1, v0  }
0x1e1: {  	v1 =	vld [tilespmem:s6+$0x10];
	v2 =	vadd.bf16 v3, v2;
	v4 =	vsub.bf16 v4, v5  }
0x1e2: {  	s28 =	simm.s32 $0xC7A0;
	v3 =	vmul.bf16 v7, v7;
	v7 =	vld [tilespmem:s7+$0x10];
	v6 =	vsub.bf16 v6, v9;
	v13 =	vsub.bf16 v13, v21  }
0x1e3: {  	v5 =	vld [tilespmem:s28+$0x40];
	v11 =	vunpack.i.u.bf16.f32 v0;
	v0 =	vunpack.i.l.bf16.f32 v0;
	v14 =	vunpack.i.u.bf16.f32 v2  }
0x1e4: {  	v2 =	vunpack.i.l.bf16.f32 v2;
	v0 =	vadd.f32 v0, v11;
	v11 =	vmul.bf16 v12, v12;
	v12 =	vld [tilespmem:s6+$0x30]  }
0x1e5: {  	s10 =	sadd.s32 $0xFFFFFFFC, s21;
	v10 =	vmul.bf16 v10, v10;
	v2 =	vadd.f32 v2, v14;
	v14 =	vsub.bf16 v15, v16;
	v16 =	vld [tilespmem:s7+$0x30]  }
0x1e6: {  	v15 =	vsub.bf16 v17, v18;
	v17 =	vld [tilespmem:s6+$0xFFFFFF80];
	v4 =	vmul.bf16 v4, v4;
	v6 =	vmul.bf16 v6, v6;
	s6 =	sadd.s32 $0xF4, s10  }
0x1e7: {  	v8 =	vld [tilespmem:s7+$0xFFFFFF80];
	v13 =	vmul.bf16 v13, v13;
	v22 =	vmov s6;
	v3 =	vadd.bf16 v11, v3  }
0x1e8: {  	v52 =	vld [tilespmem:s24+$0x60];
	v11 =	vsub.bf16 v19, v20;
	v2 =	vadd.f32 v2, v0;
	v0 =	vmul.bf16 v14, v14  }
0x1e9: {  	v54 =	vld [tilespmem:s28+$0x70];
	v14 =	vmul.bf16 v15, v15;
	v1 =	vsub.bf16 v1, v7;
	v6 =	vadd.bf16 v13, v6  }
0x1ea: {  	v9 =	vld [tilespmem:s28+$0x50];
	v5 =	vsub.bf16 v5, v51;
	v15 =	vunpack.i.u.bf16.f32 v3;
	v11 =	vmul.bf16 v11, v11  }
0x1eb: {  	v3 =	vunpack.i.l.bf16.f32 v3;
	v4 =	vadd.bf16 v4, v14;
	v14 =	vld [tilespmem:s28+$0x60];
	v12 =	vsub.bf16 v12, v16  }
0x1ec: {  	v1 =	vmul.bf16 v1, v1;
	v16 =	vld [tilespmem:s24+$0x70];
	v8 =	vsub.bf16 v17, v8;
	v0 =	vadd.bf16 v11, v0  }
0x1ed: {  	v11 =	vld [tilespmem:s24+$0x50];
	v53 =	vunpack.i.u.bf16.f32 v4;
	v4 =	vunpack.i.l.bf16.f32 v4;
	v12 =	vmul.bf16 v12, v12  }
0x1ee: {  	v4 =	vadd.f32 v4, v53;
	v7 =	vunpack.i.u.bf16.f32 v0;
	v0 =	vunpack.i.l.bf16.f32 v0  }
0x1ef: {  	(xrf2) =	vadd.scan.msk.f32 $0xffff, v2;
	v2 =	vand.u32 $0xFFFFFFFC, v22;
	v7 =	vadd.f32 v0, v7;
	v1 =	vadd.bf16 v12, v1  }
0x1f0: {  	v55 =	vld [tilespmem:s28+$0xFFFFFFA0];
	v12 =	vunpack.i.u.bf16.f32 v6;
	v6 =	vunpack.i.l.bf16.f32 v6;
	v14 =	vsub.bf16 v14, v52  }
0x1f1: {  	v56 =	vld [tilespmem:s28+$0xFFFFFFB0];
	v6 =	vadd.f32 v6, v12;
	v4 =	vadd.f32 v4, v7;
	v7 =	vmul.bf16 v8, v8  }
0x1f2: {  	v13 =	vld [tilespmem:s28+$0xFFFFFF90];
	v5 =	vmul.bf16 v5, v5;
	v16 =	vsub.bf16 v54, v16;
	v9 =	vsub.bf16 v9, v11  }
0x1f3: {  	v8 =	vld [tilespmem:s24+$0xFFFFFF90];
	v7 =	vadd.bf16 v10, v7;
	(xrf2) =	vadd.scan.msk.f32 $0xffff, v4;
	v4 =	vunpack.i.u.bf16.f32 v1;
	v1 =	vunpack.i.l.bf16.f32 v1  }
0x1f4: {  	v58 =	vld [tilespmem:s28+$0xFFFFFFC0];
	v14 =	vmul.bf16 v14, v14;
	v4 =	vadd.f32 v1, v4;
	v1 =	vmul.bf16 v9, v9  }
0x1f5: {  	s7 =	sadd.s32 $0xF5, s10;
	v12 =	vld [tilespmem:s24+$0xFFFFFFA0];
	v9 =	vmul.bf16 v16, v16;
	v57 =	vunpack.i.u.bf16.f32 v7;
	v7 =	vunpack.i.l.bf16.f32 v7  }
0x1f6: {  	v59 =	vld [tilespmem:s24+$0xFFFFFFC0];
	v3 =	vadd.f32 v3, v15;
	v17 =	vmov s7;
	v7 =	vadd.f32 v7, v57  }
0x1f7: {  	v22 =	vbroadcast v2, $0x0;
	v11 =	vld [tilespmem:s24+$0xFFFFFFB0];
	v5 =	vadd.bf16 v14, v5;
	v1 =	vadd.bf16 v9, v1  }
0x1f8: {  	v61 =	vld [tilespmem:s28+$0x0];
	v17 =	vand.u32 $0xFFFFFFFD, v17;
	v2 =	vsub.bf16 v13, v8;
	v3 =	vadd.f32 v3, v7  }
0x1f9: {  	v14 =	vld [tilespmem:s28+$0xFFFFFFF0];
	v13 =	vbroadcast v17, $0x0;
	v17 =	vunpack.i.u.bf16.f32 v1;
	v1 =	vunpack.i.l.bf16.f32 v1  }
0x1fa: {  	v16 =	vld [tilespmem:s24+$0xFFFFFFD0];
	(xrf2) =	vadd.scan.msk.f32 $0xffff, v3;
	v3 =	vsub.bf16 v55, v12;
	v12 =	vunpack.i.u.bf16.f32 v5;
	v5 =	vunpack.i.l.bf16.f32 v5  }
0x1fb: {  	s25 =	sadd.s32 $0xF7, s10;
	v8 =	vld [tilespmem:s28+$0xFFFFFFE0];
	v17 =	vadd.f32 v1, v17;
	v5 =	vadd.f32 v5, v12  }
0x1fc: {  	s4 =	sadd.s32 $0xF6, s10;
	v15 =	vmov s25;
	v9 =	vld [tilespmem:s24+$0xFFFFFFE0];
	v11 =	vsub.bf16 v56, v11  }
0x1fd: {  	v10 =	vmov s4;
	v7 =	vld [tilespmem:s28+$0xFFFFFFD0];
	v5 =	vadd.f32 v17, v5  }
0x1fe: {  	v10 =	vand.u32 $0xFFFFFFFE, v10;
	v11 =	vmul.bf16 v11, v11;
	v12 =	vld [tilespmem:s24+$0xFFFFFFF0]  }
0x1ff: {  	v60, _, _ =	vpop (xrf2);
	v2 =	vmul.bf16 v2, v2;
	v1 =	vbroadcast v10, $0x0;
	v10 =	vadd.f32 v4, v6;
	v6 =	vld [tilespmem:s24+$0x0];
	(xrf2) =	vadd.scan.msk.f32 $0xffff, v5  }
0x200: {  	v0 =	vld [tilespmem:s24+$0xFFFFFF80];
	v4 =	vsub.bf16 v58, v59  }
0x201: {  	[tilespmem:v15+s0+$0x0] =	vst.idx.msk vm0, v60;
	v15 =	vld [tilespmem:s28+$0x10];
	v2 =	vadd.bf16 v11, v2;
	v8 =	vsub.bf16 v8, v9  }
0x202: {  	v3 =	vmul.bf16 v3, v3;
	v11, _, _ =	vpop (xrf2);
	v17 =	vmul.bf16 v4, v4;
	v4 =	vsub.bf16 v7, v16;
	v16 =	vld [tilespmem:s24+$0x10];
	(xrf2) =	vadd.scan.msk.f32 $0xffff, v10  }
0x203: {  	s4 =	sadd.s32 $0x0, s21;
	v9 =	vunpack.i.u.bf16.f32 v2;
	v2 =	vunpack.i.l.bf16.f32 v2;
	v7 =	vld [tilespmem:s28+$0x20];
	[tilespmem:v13+s0+$0x0] =	vst.idx.msk vm0, v11;
	v11 =	vsub.bf16 v14, v12  }
0x204: {  	s10 =	sadd.s32 $0xF7, s4;
	v2 =	vadd.f32 v2, v9;
	v9 =	vld [tilespmem:s24+$0x20];
	v63 =	vsub.bf16 v61, v6;
	v12 =	vmul.bf16 v8, v8  }
0x205: {  	s25 =	sadd.s32 $0xF4, s4;
	v13 =	vmul.bf16 v4, v4;
	v4 =	vmov s10;
	v8 =	vld [tilespmem:s28+$0x30];
	v62 =	vmul.bf16 v11, v11  }
0x206: {  	s7 =	sadd.s32 $0xF5, s4;
	v6 =	vmov s25;
	v10 =	vmul.bf16 v63, v63;
	v14 =	vadd.bf16 v12, v17;
	v11 =	vld [tilespmem:s24+$0x30];
	v5, _, _ =	vpop (xrf2)  }
0x207: {  	s25 =	simm.s32 $0x4;
	s10 =	sadd.s32 $0xF6, s4;
	v12 =	vld [tilespmem:s28+$0xFFFFFF80];
	v15 =	vsub.bf16 v15, v16;
	s28 =	simm.s32 $0xC8A0;
	v13 =	vadd.bf16 v62, v13;
	[tilespmem:v22+s0+$0x0] =	vst.idx.msk vm0, v5;
	v5 =	vmov s7  }
.LBB2_9:
0x208: {  	v16 =	vld [tilespmem:s28+$0x40];
	v17 =	vunpack.i.u.bf16.f32 v14;
	v14 =	vunpack.i.l.bf16.f32 v14;
	v18 =	vmov s10;
	s24 =	sadd.s32 $0x100, s24;
	s10 =	smov.u32 s25  }
0x209: {  	v19 =	vld [tilespmem:s24+$0x40];
	v20 =	vunpack.i.u.bf16.f32 v13;
	v15 =	vmul.bf16 v15, v15;
	v7 =	vsub.bf16 v7, v9;
	v9, _, _ =	vpop (xrf2)  }
0x20a: {  	v6 =	vand.u32 $0xFFFFFFFC, v6;
	v22 =	vunpack.i.l.bf16.f32 v13;
	v14 =	vadd.f32 v14, v17;
	v21 =	vld [tilespmem:s28+$0x50];
	[tilespmem:v4+s0+$0x0] =	vst.idx.msk vm0, v9  }
0x20b: {  	v9 =	vadd.f32 v22, v20;
	v4 =	vld [tilespmem:s24+$0x50];
	v7 =	vmul.bf16 v7, v7;
	v8 =	vsub.bf16 v8, v11  }
0x20c: {  	v5 =	vand.u32 $0xFFFFFFFD, v5;
	v11 =	vld [tilespmem:s28+$0x60];
	v0 =	vsub.bf16 v12, v0;
	v12 =	vand.u32 $0xFFFFFFFE, v18;
	v13, _, _ =	vpop (xrf2)  }
0x20d: {  	v9 =	vadd.f32 v9, v14;
	v17 =	vld [tilespmem:s24+$0x60];
	v7 =	vadd.bf16 v7, v10;
	v8 =	vmul.bf16 v8, v8  }
0x20e: {  	v6 =	vbroadcast v6, $0x0;
	v10 =	vld [tilespmem:s28+$0x70];
	v14 =	vmul.bf16 v0, v0;
	[tilespmem:v1+s0+$0x0] =	vst.idx.msk vm0, v13  }
0x20f: {  	s25 =	sadd.s32 $0x4, s25;
	v13 =	vld [tilespmem:s24+$0x70];
	v1 =	vadd.bf16 v8, v15;
	v8 =	vunpack.i.u.bf16.f32 v7;
	v7 =	vunpack.i.l.bf16.f32 v7;
	(xrf2) =	vadd.scan.msk.f32 $0xffff, v9  }
0x210: {  	p2 =	slt.u32 s25, $0x4C;
	v5 =	vbroadcast v5, $0x0;
	v0 =	vld [tilespmem:s24+$0xFFFFFF80];
	v3 =	vadd.bf16 v3, v14;
	v7 =	vadd.f32 v7, v8  }
0x211: {  	v8 =	vld [tilespmem:s28+$0xFFFFFF90];
	v9 =	vunpack.i.u.bf16.f32 v1;
	v14 =	vunpack.i.l.bf16.f32 v1;
	v1 =	vbroadcast v12, $0x0  }
0x212: {  	v12 =	vld [tilespmem:s24+$0xFFFFFF90];
	v15 =	vunpack.i.u.bf16.f32 v3;
	v3 =	vunpack.i.l.bf16.f32 v3;
	v9 =	vadd.f32 v14, v9  }
0x213: {  	v16 =	vsub.bf16 v16, v19;
	v11 =	vsub.bf16 v11, v17;
	v14 =	vld [tilespmem:s28+$0xFFFFFFA0]  }
0x214: {  	v4 =	vsub.bf16 v21, v4;
	v17 =	vld [tilespmem:s24+$0xFFFFFFA0];
	v10 =	vsub.bf16 v10, v13  }
0x215: {  	v16 =	vmul.bf16 v16, v16;
	v3 =	vadd.f32 v3, v15;
	v11 =	vmul.bf16 v11, v11;
	v13 =	vld [tilespmem:s28+$0xFFFFFFB0]  }
0x216: {  	v4 =	vmul.bf16 v4, v4;
	v7 =	vadd.f32 v9, v7;
	v15 =	vld [tilespmem:s24+$0xFFFFFFB0];
	v10 =	vmul.bf16 v10, v10  }
0x217: {  	v11 =	vadd.bf16 v11, v16;
	v8 =	vsub.bf16 v8, v12;
	v9 =	vld [tilespmem:s28+$0xFFFFFFC0]  }
0x218: {  	v2 =	vadd.f32 v2, v3;
	v12 =	vld [tilespmem:s24+$0xFFFFFFC0];
	v4 =	vadd.bf16 v10, v4  }
0x219: {  	v8 =	vmul.bf16 v8, v8;
	v3 =	vsub.bf16 v14, v17;
	v10 =	vld [tilespmem:s28+$0xFFFFFFD0];
	v14 =	vunpack.i.u.bf16.f32 v11;
	v16, _, _ =	vpop (xrf2)  }
0x21a: {  	v11 =	vunpack.i.l.bf16.f32 v11;
	v17 =	vld [tilespmem:s24+$0xFFFFFFD0];
	v18 =	vunpack.i.u.bf16.f32 v4;
	v4 =	vunpack.i.l.bf16.f32 v4;
	(xrf2) =	vadd.scan.msk.f32 $0xffff, v2  }
0x21b: {  	v11 =	vadd.f32 v11, v14;
	v3 =	vmul.bf16 v3, v3;
	v2 =	vld [tilespmem:s28+$0xFFFFFFE0];
	v4 =	vadd.f32 v4, v18  }
0x21c: {  	v13 =	vsub.bf16 v13, v15;
	v14 =	vld [tilespmem:s24+$0xFFFFFFE0];
	[tilespmem:v5+s0+$0x0] =	vst.idx.msk vm0, v16  }
0x21d: {  	v5 =	vsub.bf16 v9, v12;
	v9 =	vld [tilespmem:s28+$0xFFFFFFF0];
	v4 =	vadd.f32 v4, v11  }
0x21e: {  	v11 =	vmul.bf16 v13, v13;
	v12 =	vld [tilespmem:s24+$0xFFFFFFF0]  }
0x21f: {  	v5 =	vmul.bf16 v5, v5;
	v10 =	vsub.bf16 v10, v17;
	v13 =	vld [tilespmem:s28+$0x0];
	(xrf2) =	vadd.scan.msk.f32 $0xffff, v4  }
0x220: {  	v4 =	vadd.bf16 v11, v8;
	v8 =	vld [tilespmem:s24+$0x0]  }
0x221: {  	v10 =	vmul.bf16 v10, v10;
	v11 =	vsub.bf16 v2, v14;
	v15 =	vld [tilespmem:s28+$0x10]  }
0x222: {  	v2 =	vunpack.i.u.bf16.f32 v4;
	v4 =	vunpack.i.l.bf16.f32 v4;
	v16 =	vld [tilespmem:s24+$0x10];
	(xrf2) =	vadd.scan.msk.f32 $0xffff, v7  }
.Ltmp3:
0x223: {  	s4 =	sadd.s32 s10, s21;
	v2 =	vadd.f32 v4, v2;
	v11 =	vmul.bf16 v11, v11;
	v4 =	vsub.bf16 v9, v12;
	v7 =	vld [tilespmem:s28+$0x20];
	(pc) =	sbr.rel @p2 .LBB2_9-.Ltmp3, $4  }
0x224: {  	s5 =	sadd.s32 $0xF4, s4;
	s6 =	sadd.s32 $0xF5, s4;
	s7 =	sadd.s32 $0xF7, s4;
	v9 =	vld [tilespmem:s24+$0x20];
	v12, _, _ =	vpop (xrf2)  }
0x225: {  	s10 =	sadd.s32 $0xF6, s4;
	v17 =	vmul.bf16 v4, v4;
	v18 =	vsub.bf16 v13, v8;
	v8 =	vld [tilespmem:s28+$0x30];
	v4 =	vmov s7;
	[tilespmem:v6+s0+$0x0] =	vst.idx.msk vm0, v12  }
0x226: {  	v6 =	vmov s5;
	v14 =	vadd.bf16 v11, v5;
	v5 =	vmov s6;
	v11 =	vld [tilespmem:s24+$0x30]  }
0x227: {  	v12 =	vld [tilespmem:s28+$0xFFFFFF80];
	v13 =	vadd.bf16 v17, v10;
	v10 =	vmul.bf16 v18, v18;
	v15 =	vsub.bf16 v15, v16;
	s28 =	sadd.s32 $0x100, s28  }
0x228: {  	_ =	sdelay $0x2  }
0x229: {  	v16 =	vunpack.i.u.bf16.f32 v14;
	v7 =	vsub.bf16 v7, v9  }
0x22a: {  	v9 =	vunpack.i.l.bf16.f32 v14;
	v14 =	vunpack.i.u.bf16.f32 v13;
	v0 =	vsub.bf16 v12, v0  }
0x22b: {  	v9 =	vadd.f32 v9, v16;
	v7 =	vmul.bf16 v7, v7;
	v8 =	vsub.bf16 v8, v11  }
0x22c: {  	v11 =	vunpack.i.l.bf16.f32 v13;
	v12 =	vmul.bf16 v15, v15;
	v0 =	vmul.bf16 v0, v0  }
0x22d: {  	v11 =	vadd.f32 v11, v14;
	v7 =	vadd.bf16 v7, v10;
	v8 =	vmul.bf16 v8, v8  }
0x22e: {  	v0 =	vadd.bf16 v3, v0  }
0x22f: {  	v8 =	vadd.bf16 v8, v12;
	v3 =	vadd.f32 v11, v9;
	v9 =	vunpack.i.u.bf16.f32 v7  }
0x230: {  	v7 =	vunpack.i.l.bf16.f32 v7;
	v10 =	vunpack.i.u.bf16.f32 v0;
	v0 =	vunpack.i.l.bf16.f32 v0  }
0x231: {  	v11 =	vunpack.i.u.bf16.f32 v8;
	v8 =	vunpack.i.l.bf16.f32 v8;
	v0 =	vadd.f32 v0, v10  }
0x232: {  	v7 =	vadd.f32 v7, v9;
	v8 =	vadd.f32 v8, v11  }
0x233: {  	v0 =	vadd.f32 v2, v0  }
0x234: {  	(xrf2) =	vadd.scan.msk.f32 $0xffff, v3;
	v2 =	vadd.f32 v8, v7  }
0x235: {  	(xrf2) =	vadd.scan.msk.f32 $0xffff, v0  }
0x236: {  	(xrf2) =	vadd.scan.msk.f32 $0xffff, v2;
	_ =	sdelay $0x1  }
0x237: {  	v0 =	vand.u32 $0xFFFFFFFD, v5  }
0x238: {  	v3 =	vand.u32 $0xFFFFFFFC, v6;
	v2 =	vmov s10;
	v0 =	vbroadcast v0, $0x0  }
0x239: {  	v3 =	vbroadcast v3, $0x0;
	v2 =	vand.u32 $0xFFFFFFFE, v2  }
0x23a: {  	v2 =	vbroadcast v2, $0x0  }
0x23b: {  	v5, _, _ =	vpop (xrf2)  }
0x23c: {  	v6, _, _ =	vpop (xrf2);
	[tilespmem:v4+s0+$0x0] =	vst.idx.msk vm0, v5  }
0x23d: {  	[tilespmem:v1+s0+$0x0] =	vst.idx.msk vm0, v6;
	v1, _, _ =	vpop (xrf2)  }
0x23e: {  	[tilespmem:v0+s0+$0x0] =	vst.idx.msk vm0, v1;
	v0, _, _ =	vpop (xrf2)  }
0x23f: {  	[tilespmem:v3+s0+$0x0] =	vst.idx.msk vm0, v0;
	v0, _, _ =	vpop (xrf2)  }
0x240: {  	s4 =	sadd.s32 @!p1 $0x280, s23;
	s5 =	simm.s32 @!p1 $0x50;
	s6 =	simm.s32 @!p1 $0xC620;
	[tilespmem:v2+s0+$0x0] =	vst.idx.msk vm0, v0  }
0x241: {  	[tilespmem:s6], [sflag:$0x7] =	stream.indirect.gather @!p1 [hbm4b:s3+s5], $0x40, s4, s5, $0xb8;
	[tilespmem:$0x1D970] =	vst v63  }
0x242: {  	s4 =	sadd.s32 @!p1 $0x2990, s23;
	s6 =	simm.s32 @!p1 $0xDA20  }
0x243: {  	[tilespmem:s6], [sflag:$0x8] =	stream.indirect.gather @!p1 [spmem:s1], $0x40, s4, s5, $0xb8;
	[tilespmem:$0x1D970] =	vst v63  }
0x244: {  	_ =	swait.ge [sflag:s18], $0x1400  }
0x245: {  	[sflag:s18] =	ssyncset.done $0x0  }
0x246: {  	[sflag:s18] =	ssyncadd.s32 $0xFFFFEC00  }
0x247: {  	_ =	swait.ge [sflag:s19], $0x1400  }
0x248: {  	[sflag:s19] =	ssyncset.done $0x0  }
0x249: {  	s6 =	simm.s32 $0xEEA0;
	[sflag:s19] =	ssyncadd.s32 $0xFFFFEC00  }
0x24a: {  	s7 =	simm.s32 $0x102A0;
	v0 =	vld [tilespmem:s6+$0x40]  }
0x24b: {  	v1 =	vld [tilespmem:s7+$0x40]  }
0x24c: {  	v2 =	vld [tilespmem:s6+$0x50]  }
0x24d: {  	v3 =	vld [tilespmem:s7+$0x50]  }
0x24e: {  	v4 =	vld [tilespmem:s6+$0x60]  }
0x24f: {  	v5 =	vld [tilespmem:s7+$0x60]  }
0x250: {  	v6 =	vld [tilespmem:s6+$0x70]  }
0x251: {  	v7 =	vld [tilespmem:s7+$0x70]  }
0x252: {  	v9 =	vld [tilespmem:s6+$0xFFFFFF90]  }
0x253: {  	v10 =	vld [tilespmem:s7+$0xFFFFFF90]  }
0x254: {  	v11 =	vld [tilespmem:s6+$0xFFFFFFA0]  }
0x255: {  	v12 =	vld [tilespmem:s7+$0xFFFFFFA0]  }
0x256: {  	v13 =	vld [tilespmem:s6+$0xFFFFFFB0]  }
0x257: {  	v14 =	vld [tilespmem:s7+$0xFFFFFFB0]  }
0x258: {  	v15 =	vld [tilespmem:s6+$0xFFFFFFC0]  }
0x259: {  	v16 =	vld [tilespmem:s7+$0xFFFFFFC0]  }
0x25a: {  	v17 =	vld [tilespmem:s6+$0xFFFFFFD0]  }
0x25b: {  	v18 =	vld [tilespmem:s7+$0xFFFFFFD0]  }
0x25c: {  	v21 =	vld [tilespmem:s7+$0x20]  }
0x25d: {  	v0 =	vsub.bf16 v0, v1;
	v1 =	vsub.bf16 v4, v5;
	v4 =	vld [tilespmem:s6+$0xFFFFFFF0]  }
0x25e: {  	v5 =	vld [tilespmem:s7+$0xFFFFFFF0]  }
0x25f: {  	v2 =	vsub.bf16 v2, v3;
	v3 =	vsub.bf16 v6, v7;
	v6 =	vld [tilespmem:s6+$0x0]  }
0x260: {  	v7 =	vsub.bf16 v9, v10;
	v9 =	vld [tilespmem:s7+$0x0]  }
0x261: {  	v10 =	vsub.bf16 v11, v12;
	v12 =	vsub.bf16 v13, v14;
	v13 =	vld [tilespmem:s6+$0x20]  }
0x262: {  	v19 =	vld [tilespmem:s6+$0xFFFFFFE0];
	v0 =	vmul.bf16 v0, v0;
	v1 =	vmul.bf16 v1, v1  }
0x263: {  	s24 =	simm.s32 $0x103A0;
	v20 =	vld [tilespmem:s7+$0xFFFFFFE0];
	v2 =	vmul.bf16 v2, v2;
	v3 =	vmul.bf16 v3, v3  }
0x264: {  	v51 =	vld [tilespmem:s24+$0x40];
	v0 =	vadd.bf16 v1, v0  }
0x265: {  	v1 =	vld [tilespmem:s6+$0x10];
	v2 =	vadd.bf16 v3, v2;
	v4 =	vsub.bf16 v4, v5  }
0x266: {  	s28 =	simm.s32 $0xEFA0;
	v3 =	vmul.bf16 v7, v7;
	v7 =	vld [tilespmem:s7+$0x10];
	v6 =	vsub.bf16 v6, v9;
	v13 =	vsub.bf16 v13, v21  }
0x267: {  	v5 =	vld [tilespmem:s28+$0x40];
	v11 =	vunpack.i.u.bf16.f32 v0;
	v0 =	vunpack.i.l.bf16.f32 v0;
	v14 =	vunpack.i.u.bf16.f32 v2  }
0x268: {  	v2 =	vunpack.i.l.bf16.f32 v2;
	v0 =	vadd.f32 v0, v11;
	v11 =	vmul.bf16 v12, v12;
	v12 =	vld [tilespmem:s6+$0x30]  }
0x269: {  	s10 =	sadd.s32 $0xFFFFFFFC, s21;
	v10 =	vmul.bf16 v10, v10;
	v2 =	vadd.f32 v2, v14;
	v14 =	vsub.bf16 v15, v16;
	v16 =	vld [tilespmem:s7+$0x30]  }
0x26a: {  	v15 =	vsub.bf16 v17, v18;
	v17 =	vld [tilespmem:s6+$0xFFFFFF80];
	v4 =	vmul.bf16 v4, v4;
	v6 =	vmul.bf16 v6, v6;
	s6 =	sadd.s32 $0x144, s10  }
0x26b: {  	v8 =	vld [tilespmem:s7+$0xFFFFFF80];
	v13 =	vmul.bf16 v13, v13;
	v22 =	vmov s6;
	v3 =	vadd.bf16 v11, v3  }
0x26c: {  	v52 =	vld [tilespmem:s24+$0x60];
	v11 =	vsub.bf16 v19, v20;
	v2 =	vadd.f32 v2, v0;
	v0 =	vmul.bf16 v14, v14  }
0x26d: {  	v54 =	vld [tilespmem:s28+$0x70];
	v14 =	vmul.bf16 v15, v15;
	v1 =	vsub.bf16 v1, v7;
	v6 =	vadd.bf16 v13, v6  }
0x26e: {  	v9 =	vld [tilespmem:s28+$0x50];
	v5 =	vsub.bf16 v5, v51;
	v15 =	vunpack.i.u.bf16.f32 v3;
	v11 =	vmul.bf16 v11, v11  }
0x26f: {  	v3 =	vunpack.i.l.bf16.f32 v3;
	v4 =	vadd.bf16 v4, v14;
	v14 =	vld [tilespmem:s28+$0x60];
	v12 =	vsub.bf16 v12, v16  }
0x270: {  	v1 =	vmul.bf16 v1, v1;
	v16 =	vld [tilespmem:s24+$0x70];
	v8 =	vsub.bf16 v17, v8;
	v0 =	vadd.bf16 v11, v0  }
0x271: {  	v11 =	vld [tilespmem:s24+$0x50];
	v53 =	vunpack.i.u.bf16.f32 v4;
	v4 =	vunpack.i.l.bf16.f32 v4;
	v12 =	vmul.bf16 v12, v12  }
0x272: {  	v4 =	vadd.f32 v4, v53;
	v7 =	vunpack.i.u.bf16.f32 v0;
	v0 =	vunpack.i.l.bf16.f32 v0  }
0x273: {  	(xrf2) =	vadd.scan.msk.f32 $0xffff, v2;
	v2 =	vand.u32 $0xFFFFFFFC, v22;
	v7 =	vadd.f32 v0, v7;
	v1 =	vadd.bf16 v12, v1  }
0x274: {  	v55 =	vld [tilespmem:s28+$0xFFFFFFA0];
	v12 =	vunpack.i.u.bf16.f32 v6;
	v6 =	vunpack.i.l.bf16.f32 v6;
	v14 =	vsub.bf16 v14, v52  }
0x275: {  	v56 =	vld [tilespmem:s28+$0xFFFFFFB0];
	v6 =	vadd.f32 v6, v12;
	v4 =	vadd.f32 v4, v7;
	v7 =	vmul.bf16 v8, v8  }
0x276: {  	v13 =	vld [tilespmem:s28+$0xFFFFFF90];
	v5 =	vmul.bf16 v5, v5;
	v16 =	vsub.bf16 v54, v16;
	v9 =	vsub.bf16 v9, v11  }
0x277: {  	v8 =	vld [tilespmem:s24+$0xFFFFFF90];
	v7 =	vadd.bf16 v10, v7;
	(xrf2) =	vadd.scan.msk.f32 $0xffff, v4;
	v4 =	vunpack.i.u.bf16.f32 v1;
	v1 =	vunpack.i.l.bf16.f32 v1  }
0x278: {  	v58 =	vld [tilespmem:s28+$0xFFFFFFC0];
	v14 =	vmul.bf16 v14, v14;
	v4 =	vadd.f32 v1, v4;
	v1 =	vmul.bf16 v9, v9  }
0x279: {  	s7 =	sadd.s32 $0x145, s10;
	v12 =	vld [tilespmem:s24+$0xFFFFFFA0];
	v9 =	vmul.bf16 v16, v16;
	v57 =	vunpack.i.u.bf16.f32 v7;
	v7 =	vunpack.i.l.bf16.f32 v7  }
0x27a: {  	v59 =	vld [tilespmem:s24+$0xFFFFFFC0];
	v3 =	vadd.f32 v3, v15;
	v17 =	vmov s7;
	v7 =	vadd.f32 v7, v57  }
0x27b: {  	v22 =	vbroadcast v2, $0x0;
	v11 =	vld [tilespmem:s24+$0xFFFFFFB0];
	v5 =	vadd.bf16 v14, v5;
	v1 =	vadd.bf16 v9, v1  }
0x27c: {  	v61 =	vld [tilespmem:s28+$0x0];
	v17 =	vand.u32 $0xFFFFFFFD, v17;
	v2 =	vsub.bf16 v13, v8;
	v3 =	vadd.f32 v3, v7  }
0x27d: {  	v14 =	vld [tilespmem:s28+$0xFFFFFFF0];
	v13 =	vbroadcast v17, $0x0;
	v17 =	vunpack.i.u.bf16.f32 v1;
	v1 =	vunpack.i.l.bf16.f32 v1  }
0x27e: {  	v16 =	vld [tilespmem:s24+$0xFFFFFFD0];
	(xrf2) =	vadd.scan.msk.f32 $0xffff, v3;
	v3 =	vsub.bf16 v55, v12;
	v12 =	vunpack.i.u.bf16.f32 v5;
	v5 =	vunpack.i.l.bf16.f32 v5  }
0x27f: {  	s25 =	sadd.s32 $0x147, s10;
	v8 =	vld [tilespmem:s28+$0xFFFFFFE0];
	v17 =	vadd.f32 v1, v17;
	v5 =	vadd.f32 v5, v12  }
0x280: {  	s4 =	sadd.s32 $0x146, s10;
	v15 =	vmov s25;
	v9 =	vld [tilespmem:s24+$0xFFFFFFE0];
	v11 =	vsub.bf16 v56, v11  }
0x281: {  	v10 =	vmov s4;
	v7 =	vld [tilespmem:s28+$0xFFFFFFD0];
	v5 =	vadd.f32 v17, v5  }
0x282: {  	v10 =	vand.u32 $0xFFFFFFFE, v10;
	v11 =	vmul.bf16 v11, v11;
	v12 =	vld [tilespmem:s24+$0xFFFFFFF0]  }
0x283: {  	v60, _, _ =	vpop (xrf2);
	v2 =	vmul.bf16 v2, v2;
	v1 =	vbroadcast v10, $0x0;
	v10 =	vadd.f32 v4, v6;
	v6 =	vld [tilespmem:s24+$0x0];
	(xrf2) =	vadd.scan.msk.f32 $0xffff, v5  }
0x284: {  	v0 =	vld [tilespmem:s24+$0xFFFFFF80];
	v4 =	vsub.bf16 v58, v59  }
0x285: {  	[tilespmem:v15+s0+$0x0] =	vst.idx.msk vm0, v60;
	v15 =	vld [tilespmem:s28+$0x10];
	v2 =	vadd.bf16 v11, v2;
	v8 =	vsub.bf16 v8, v9  }
0x286: {  	v3 =	vmul.bf16 v3, v3;
	v11, _, _ =	vpop (xrf2);
	v17 =	vmul.bf16 v4, v4;
	v4 =	vsub.bf16 v7, v16;
	v16 =	vld [tilespmem:s24+$0x10];
	(xrf2) =	vadd.scan.msk.f32 $0xffff, v10  }
0x287: {  	s4 =	sadd.s32 $0x0, s21;
	v9 =	vunpack.i.u.bf16.f32 v2;
	v2 =	vunpack.i.l.bf16.f32 v2;
	v7 =	vld [tilespmem:s28+$0x20];
	[tilespmem:v13+s0+$0x0] =	vst.idx.msk vm0, v11;
	v11 =	vsub.bf16 v14, v12  }
0x288: {  	s10 =	sadd.s32 $0x147, s4;
	v2 =	vadd.f32 v2, v9;
	v9 =	vld [tilespmem:s24+$0x20];
	v63 =	vsub.bf16 v61, v6;
	v12 =	vmul.bf16 v8, v8  }
0x289: {  	s25 =	sadd.s32 $0x144, s4;
	v13 =	vmul.bf16 v4, v4;
	v4 =	vmov s10;
	v8 =	vld [tilespmem:s28+$0x30];
	v62 =	vmul.bf16 v11, v11  }
0x28a: {  	s7 =	sadd.s32 $0x145, s4;
	v6 =	vmov s25;
	v10 =	vmul.bf16 v63, v63;
	v14 =	vadd.bf16 v12, v17;
	v11 =	vld [tilespmem:s24+$0x30];
	v5, _, _ =	vpop (xrf2)  }
0x28b: {  	s25 =	simm.s32 $0x4;
	s10 =	sadd.s32 $0x146, s4;
	v12 =	vld [tilespmem:s28+$0xFFFFFF80];
	v15 =	vsub.bf16 v15, v16;
	s28 =	simm.s32 $0xF0A0;
	v13 =	vadd.bf16 v62, v13;
	[tilespmem:v22+s0+$0x0] =	vst.idx.msk vm0, v5;
	v5 =	vmov s7  }
.LBB2_11:
0x28c: {  	v16 =	vld [tilespmem:s28+$0x40];
	v17 =	vunpack.i.u.bf16.f32 v14;
	v14 =	vunpack.i.l.bf16.f32 v14;
	v18 =	vmov s10;
	s24 =	sadd.s32 $0x100, s24;
	s10 =	smov.u32 s25  }
0x28d: {  	v19 =	vld [tilespmem:s24+$0x40];
	v20 =	vunpack.i.u.bf16.f32 v13;
	v15 =	vmul.bf16 v15, v15;
	v7 =	vsub.bf16 v7, v9;
	v9, _, _ =	vpop (xrf2)  }
0x28e: {  	v6 =	vand.u32 $0xFFFFFFFC, v6;
	v22 =	vunpack.i.l.bf16.f32 v13;
	v14 =	vadd.f32 v14, v17;
	v21 =	vld [tilespmem:s28+$0x50];
	[tilespmem:v4+s0+$0x0] =	vst.idx.msk vm0, v9  }
0x28f: {  	v9 =	vadd.f32 v22, v20;
	v4 =	vld [tilespmem:s24+$0x50];
	v7 =	vmul.bf16 v7, v7;
	v8 =	vsub.bf16 v8, v11  }
0x290: {  	v5 =	vand.u32 $0xFFFFFFFD, v5;
	v11 =	vld [tilespmem:s28+$0x60];
	v0 =	vsub.bf16 v12, v0;
	v12 =	vand.u32 $0xFFFFFFFE, v18;
	v13, _, _ =	vpop (xrf2)  }
0x291: {  	v9 =	vadd.f32 v9, v14;
	v17 =	vld [tilespmem:s24+$0x60];
	v7 =	vadd.bf16 v7, v10;
	v8 =	vmul.bf16 v8, v8  }
0x292: {  	v6 =	vbroadcast v6, $0x0;
	v10 =	vld [tilespmem:s28+$0x70];
	v14 =	vmul.bf16 v0, v0;
	[tilespmem:v1+s0+$0x0] =	vst.idx.msk vm0, v13  }
0x293: {  	s25 =	sadd.s32 $0x4, s25;
	v13 =	vld [tilespmem:s24+$0x70];
	v1 =	vadd.bf16 v8, v15;
	v8 =	vunpack.i.u.bf16.f32 v7;
	v7 =	vunpack.i.l.bf16.f32 v7;
	(xrf2) =	vadd.scan.msk.f32 $0xffff, v9  }
0x294: {  	p2 =	slt.u32 s25, $0x4C;
	v5 =	vbroadcast v5, $0x0;
	v0 =	vld [tilespmem:s24+$0xFFFFFF80];
	v3 =	vadd.bf16 v3, v14;
	v7 =	vadd.f32 v7, v8  }
0x295: {  	v8 =	vld [tilespmem:s28+$0xFFFFFF90];
	v9 =	vunpack.i.u.bf16.f32 v1;
	v14 =	vunpack.i.l.bf16.f32 v1;
	v1 =	vbroadcast v12, $0x0  }
0x296: {  	v12 =	vld [tilespmem:s24+$0xFFFFFF90];
	v15 =	vunpack.i.u.bf16.f32 v3;
	v3 =	vunpack.i.l.bf16.f32 v3;
	v9 =	vadd.f32 v14, v9  }
0x297: {  	v16 =	vsub.bf16 v16, v19;
	v11 =	vsub.bf16 v11, v17;
	v14 =	vld [tilespmem:s28+$0xFFFFFFA0]  }
0x298: {  	v4 =	vsub.bf16 v21, v4;
	v17 =	vld [tilespmem:s24+$0xFFFFFFA0];
	v10 =	vsub.bf16 v10, v13  }
0x299: {  	v16 =	vmul.bf16 v16, v16;
	v3 =	vadd.f32 v3, v15;
	v11 =	vmul.bf16 v11, v11;
	v13 =	vld [tilespmem:s28+$0xFFFFFFB0]  }
0x29a: {  	v4 =	vmul.bf16 v4, v4;
	v7 =	vadd.f32 v9, v7;
	v15 =	vld [tilespmem:s24+$0xFFFFFFB0];
	v10 =	vmul.bf16 v10, v10  }
0x29b: {  	v11 =	vadd.bf16 v11, v16;
	v8 =	vsub.bf16 v8, v12;
	v9 =	vld [tilespmem:s28+$0xFFFFFFC0]  }
0x29c: {  	v2 =	vadd.f32 v2, v3;
	v12 =	vld [tilespmem:s24+$0xFFFFFFC0];
	v4 =	vadd.bf16 v10, v4  }
0x29d: {  	v8 =	vmul.bf16 v8, v8;
	v3 =	vsub.bf16 v14, v17;
	v10 =	vld [tilespmem:s28+$0xFFFFFFD0];
	v14 =	vunpack.i.u.bf16.f32 v11;
	v16, _, _ =	vpop (xrf2)  }
0x29e: {  	v11 =	vunpack.i.l.bf16.f32 v11;
	v17 =	vld [tilespmem:s24+$0xFFFFFFD0];
	v18 =	vunpack.i.u.bf16.f32 v4;
	v4 =	vunpack.i.l.bf16.f32 v4;
	(xrf2) =	vadd.scan.msk.f32 $0xffff, v2  }
0x29f: {  	v11 =	vadd.f32 v11, v14;
	v3 =	vmul.bf16 v3, v3;
	v2 =	vld [tilespmem:s28+$0xFFFFFFE0];
	v4 =	vadd.f32 v4, v18  }
0x2a0: {  	v13 =	vsub.bf16 v13, v15;
	v14 =	vld [tilespmem:s24+$0xFFFFFFE0];
	[tilespmem:v5+s0+$0x0] =	vst.idx.msk vm0, v16  }
0x2a1: {  	v5 =	vsub.bf16 v9, v12;
	v9 =	vld [tilespmem:s28+$0xFFFFFFF0];
	v4 =	vadd.f32 v4, v11  }
0x2a2: {  	v11 =	vmul.bf16 v13, v13;
	v12 =	vld [tilespmem:s24+$0xFFFFFFF0]  }
0x2a3: {  	v5 =	vmul.bf16 v5, v5;
	v10 =	vsub.bf16 v10, v17;
	v13 =	vld [tilespmem:s28+$0x0];
	(xrf2) =	vadd.scan.msk.f32 $0xffff, v4  }
0x2a4: {  	v4 =	vadd.bf16 v11, v8;
	v8 =	vld [tilespmem:s24+$0x0]  }
0x2a5: {  	v10 =	vmul.bf16 v10, v10;
	v11 =	vsub.bf16 v2, v14;
	v15 =	vld [tilespmem:s28+$0x10]  }
0x2a6: {  	v2 =	vunpack.i.u.bf16.f32 v4;
	v4 =	vunpack.i.l.bf16.f32 v4;
	v16 =	vld [tilespmem:s24+$0x10];
	(xrf2) =	vadd.scan.msk.f32 $0xffff, v7  }
.Ltmp4:
0x2a7: {  	s4 =	sadd.s32 s10, s21;
	v2 =	vadd.f32 v4, v2;
	v11 =	vmul.bf16 v11, v11;
	v4 =	vsub.bf16 v9, v12;
	v7 =	vld [tilespmem:s28+$0x20];
	(pc) =	sbr.rel @p2 .LBB2_11-.Ltmp4, $4  }
0x2a8: {  	s5 =	sadd.s32 $0x144, s4;
	s6 =	sadd.s32 $0x145, s4;
	s7 =	sadd.s32 $0x147, s4;
	v9 =	vld [tilespmem:s24+$0x20];
	v12, _, _ =	vpop (xrf2)  }
0x2a9: {  	s10 =	sadd.s32 $0x146, s4;
	v17 =	vmul.bf16 v4, v4;
	v18 =	vsub.bf16 v13, v8;
	v8 =	vld [tilespmem:s28+$0x30];
	v4 =	vmov s7;
	[tilespmem:v6+s0+$0x0] =	vst.idx.msk vm0, v12  }
0x2aa: {  	v6 =	vmov s5;
	v14 =	vadd.bf16 v11, v5;
	v5 =	vmov s6;
	v11 =	vld [tilespmem:s24+$0x30]  }
0x2ab: {  	v12 =	vld [tilespmem:s28+$0xFFFFFF80];
	v13 =	vadd.bf16 v17, v10;
	v10 =	vmul.bf16 v18, v18;
	v15 =	vsub.bf16 v15, v16;
	s28 =	sadd.s32 $0x100, s28  }
0x2ac: {  	_ =	sdelay $0x2  }
0x2ad: {  	v16 =	vunpack.i.u.bf16.f32 v14;
	v7 =	vsub.bf16 v7, v9  }
0x2ae: {  	v47 =	vunpack.i.l.bf16.f32 v14;
	v48 =	vunpack.i.u.bf16.f32 v13;
	v0 =	vsub.bf16 v12, v0  }
0x2af: {  	v49 =	vmul.bf16 v15, v15;
	v7 =	vmul.bf16 v7, v7;
	v8 =	vsub.bf16 v8, v11  }
0x2b0: {  	v50 =	vunpack.i.l.bf16.f32 v13;
	v9 =	vadd.f32 v47, v16;
	v0 =	vmul.bf16 v0, v0  }
0x2b1: {  	v11 =	vadd.f32 v50, v48;
	v7 =	vadd.bf16 v7, v10;
	v8 =	vmul.bf16 v8, v8  }
0x2b2: {  	v0 =	vadd.bf16 v3, v0  }
0x2b3: {  	v51 =	vadd.f32 v11, v9;
	v8 =	vadd.bf16 v8, v49;
	v52 =	vunpack.i.u.bf16.f32 v7  }
0x2b4: {  	v7 =	vunpack.i.l.bf16.f32 v7;
	v53 =	vunpack.i.u.bf16.f32 v0;
	v0 =	vunpack.i.l.bf16.f32 v0  }
0x2b5: {  	v54 =	vunpack.i.u.bf16.f32 v8;
	v8 =	vunpack.i.l.bf16.f32 v8;
	v0 =	vadd.f32 v0, v53  }
0x2b6: {  	v7 =	vadd.f32 v7, v52;
	v8 =	vadd.f32 v8, v54  }
0x2b7: {  	v0 =	vadd.f32 v2, v0  }
0x2b8: {  	(xrf2) =	vadd.scan.msk.f32 $0xffff, v51;
	v55 =	vadd.f32 v8, v7  }
0x2b9: {  	(xrf2) =	vadd.scan.msk.f32 $0xffff, v0  }
0x2ba: {  	(xrf2) =	vadd.scan.msk.f32 $0xffff, v55;
	_ =	sdelay $0x1  }
0x2bb: {  	v56 =	vand.u32 $0xFFFFFFFD, v5  }
0x2bc: {  	v57 =	vmov s10;
	v58 =	vand.u32 $0xFFFFFFFC, v6;
	v0 =	vbroadcast v56, $0x0  }
0x2bd: {  	v3 =	vbroadcast v58, $0x0;
	v2 =	vand.u32 $0xFFFFFFFE, v57  }
0x2be: {  	v2 =	vbroadcast v2, $0x0  }
0x2bf: {  	v59, _, _ =	vpop (xrf2)  }
.Ltmp5:
0x2c0: {  	[tilespmem:v4+s0+$0x0] =	vst.idx.msk vm0, v59;
	v60, _, _ =	vpop (xrf2);
	(pc) =	sbr.rel @p1 .LBB2_13-.Ltmp5, $4  }
0x2c1: {  	[tilespmem:v1+s0+$0x0] =	vst.idx.msk vm0, v60;
	v61, _, _ =	vpop (xrf2)  }
0x2c2: {  	[tilespmem:v0+s0+$0x0] =	vst.idx.msk vm0, v61;
	v62, _, _ =	vpop (xrf2)  }
0x2c3: {  	[tilespmem:v3+s0+$0x0] =	vst.idx.msk vm0, v62;
	v63, _, _ =	vpop (xrf2)  }
0x2c4: {  	[tilespmem:v2+s0+$0x0] =	vst.idx.msk vm0, v63  }
.Ltmp6:
0x2c5: {  	(pc) =	sbr.rel .LBB2_2-.Ltmp6, $4  }
0x2c6: {  	s4 =	sadd.s32 $0x2D0, s23  }
0x2c7: {  	[tilespmem:s26], [sflag:$0x9] =	stream.indirect.gather [hbm4b:s3+s11], $0x40, s4, s11, $0xb8;
	[tilespmem:$0x1D970] =	vst v63  }
0x2c8: {  	s28 =	sadd.s32 $0x29E0, s23;
	s22 =	sadd.s32 $0x1, s22;
	s21 =	sadd.s32 $0x190, s21  }
0x2c9: {  	[tilespmem:s29], [sflag:$0xA] =	stream.indirect.gather [spmem:s1], $0x40, s28, s11, $0xb8;
	[tilespmem:$0x1D970] =	vst v63  }
.LBB2_13:
0x2ca: {  	s21 =	simm.s32 $0x11630  }
0x2cb: {  	v0 =	vld [tilespmem:s21+$0xFFFFFFF0];
	_ =	sdelay $0x4  }
0x2cc: {  	v1 =	vld [tilespmem:s21+$0x0];
	v0 =	vadd.f32 $-2.000000000e+00, v0  }
0x2cd: {  	s22 =	simm.s32 $0x11650  }
0x2ce: {  	v2 =	vld [tilespmem:s22+$0xFFFFFFF0];
	v0 =	vmul.f32 $1.442695020e+00, v0;
	_ =	sdelay $0x1  }
0x2cf: {  	v3 =	vld [tilespmem:s22+$0x0];
	(erf) = vpow2.f32 v0  }
0x2d0: {  	v0 =	vadd.f32 $-2.000000000e+00, v1  }
0x2d1: {  	s23 =	simm.s32 $0x11670  }
0x2d2: {  	v2 =	vadd.f32 $-2.000000000e+00, v2;
	v1 =	vld [tilespmem:s23+$0xFFFFFFF0];
	v0 =	vmul.f32 $1.442695020e+00, v0;
	_ =	sdelay $0x1  }
0x2d3: {  	v2 =	vmul.f32 $1.442695020e+00, v2;
	(erf) = vpow2.f32 v0;
	v0 =	vadd.f32 $-2.000000000e+00, v3;
	_ =	sdelay $0x1  }
0x2d4: {  	v3 =	vld [tilespmem:s23+$0x0];
	(erf) = vpow2.f32 v2;
	v0 =	vmul.f32 $1.442695020e+00, v0  }
0x2d5: {  	s10 =	simm.s32 $0x11690;
	v1 =	vadd.f32 $-2.000000000e+00, v1  }
0x2d6: {  	(erf) = vpow2.f32 v0;
	v0 =	vld [tilespmem:s10+$0xFFFFFFF0];
	v2 =	vpop (erf)  }
0x2d7: {  	v1 =	vmul.f32 $1.442695020e+00, v1;
	v2 =	vadd.f32 $1.000000000e+00, v2  }
0x2d8: {  	v4 =	vld [tilespmem:s10+$0x0]  }
0x2d9: {  	(erf) = vpow2.f32 v1;
	v1 =	vadd.f32 $-2.000000000e+00, v3;
	_ =	sdelay $0x1  }
0x2da: {  	v1 =	vmul.f32 $1.442695020e+00, v1;
	(erf) = vrcp.f32 v2;
	v0 =	vadd.f32 $-2.000000000e+00, v0;
	v2 =	vpop (erf)  }
0x2db: {  	s24 =	simm.s32 $0x116B0;
	v2 =	vadd.f32 $1.000000000e+00, v2  }
0x2dc: {  	v3 =	vld [tilespmem:s24+$0xFFFFFFF0];
	(erf) = vpow2.f32 v1;
	v1 =	vadd.f32 $-2.000000000e+00, v4;
	v4 =	vpop (erf);
	v0 =	vmul.f32 $1.442695020e+00, v0  }
0x2dd: {  	(erf) = vrcp.f32 v2;
	v2 =	vadd.f32 $1.000000000e+00, v4  }
0x2de: {  	v5 =	vld [tilespmem:s24+$0x0];
	v1 =	vmul.f32 $1.442695020e+00, v1;
	v4 =	vpop (erf);
	(erf) = vpow2.f32 v0  }
0x2df: {  	v0 =	vadd.f32 $1.000000000e+00, v4;
	(erf) = vrcp.f32 v2  }
0x2e0: {  	(erf) = vpow2.f32 v1  }
0x2e1: {  	s25 =	simm.s32 $0x116D0;
	v3 =	vadd.f32 $-2.000000000e+00, v3;
	v6 =	vpop (erf);
	(erf) = vrcp.f32 v0  }
0x2e2: {  	v2 =	vld [tilespmem:s25+$0xFFFFFFF0]  }
0x2e3: {  	s28 =	simm.s32 $0xA;
	v4 =	vadd.f32 $-2.000000000e+00, v5;
	v5 =	vmul.f32 $1.442695020e+00, v3;
	v3 =	vadd.f32 $1.000000000e+00, v6;
	v1 =	vld [tilespmem:s25+$0x0];
	v0 =	vpop (erf)  }
.LBB2_14:
0x2e4: {  	s28 =	sadd.s32 $0x2, s28  }
0x2e5: {  	v4 =	vmul.f32 $1.442695020e+00, v4;
	v6 =	vpop (erf);
	p1 =	slt.u32 s28, $0x26E  }
.Ltmp7:
0x2e6: {  	(erf) = vpow2.f32 v5;
	v5 =	vadd.f32 $1.000000000e+00, v6;
	[tilespmem:s21+$0xFFFFFFF0] =	vst v0;
	v0 =	vpop (erf);
	(pc) =	sbr.rel @p1 .LBB2_14-.Ltmp7, $4  }
0x2e7: {  	(erf) = vrcp.f32 v3;
	[tilespmem:s21+$0x0] =	vst v0;
	s21 =	smov.u32 s22;
	s22 =	smov.u32 s23;
	s23 =	smov.u32 s10  }
0x2e8: {  	s10 =	smov.u32 s24;
	s24 =	smov.u32 s25;
	s25 =	sadd.s32 $0x20, s25;
	v6 =	vadd.f32 $-2.000000000e+00, v2;
	(erf) = vpow2.f32 v4  }
0x2e9: {  	v2 =	vld [tilespmem:s25+$0xFFFFFFF0];
	v4 =	vadd.f32 $-2.000000000e+00, v1;
	v3 =	vpop (erf);
	(erf) = vrcp.f32 v5  }
0x2ea: {  	v1 =	vld [tilespmem:s25+$0x0];
	v5 =	vmul.f32 $1.442695020e+00, v6;
	v3 =	vadd.f32 $1.000000000e+00, v3;
	v0 =	vpop (erf)  }
0x2eb: {  	_ =	sdelay $0x2  }
0x2ec: {  	v4 =	vmul.f32 $1.442695020e+00, v4;
	v6 =	vpop (erf);
	(erf) = vpow2.f32 v5;
	v2 =	vadd.f32 $-2.000000000e+00, v2  }
0x2ed: {  	v46 =	vadd.f32 $1.000000000e+00, v6;
	v47 =	vpop (erf);
	(erf) = vrcp.f32 v3  }
0x2ee: {  	(erf) = vpow2.f32 v4;
	v1 =	vadd.f32 $-2.000000000e+00, v1;
	v48 =	vpop (erf);
	v2 =	vmul.f32 $1.442695020e+00, v2  }
0x2ef: {  	(erf) = vrcp.f32 v46;
	v3 =	vadd.f32 $1.000000000e+00, v48  }
0x2f0: {  	v1 =	vmul.f32 $1.442695020e+00, v1;
	(erf) = vpow2.f32 v2  }
0x2f1: {  	(erf) = vrcp.f32 v3  }
0x2f2: {  	v49 =	vpop (erf);
	(erf) = vpow2.f32 v1  }
0x2f3: {  	v50 =	vpop (erf)  }
0x2f4: {  	v51 =	vpop (erf)  }
0x2f5: {  	v52 =	vpop (erf)  }
0x2f6: {  	v53 =	vpop (erf)  }
0x2f7: {  	v7 =	vpop (erf)  }
0x2f8: {  	v1 =	vadd.f32 $1.000000000e+00, v50;
	v8 =	vpop (erf)  }
0x2f9: {  	v4 =	vadd.f32 $1.000000000e+00, v52;
	v9 =	vpop (erf)  }
0x2fa: {  	(erf) = vrcp.f32 v1;
	v54 =	vadd.f32 $1.000000000e+00, v7;
	v55 =	vpop (erf)  }
0x2fb: {  	(erf) = vrcp.f32 v4;
	v56 =	vadd.f32 $1.000000000e+00, v9;
	v57 =	vpop (erf)  }
0x2fc: {  	(erf) = vrcp.f32 v54;
	v58 =	vadd.f32 $1.000000000e+00, v57  }
0x2fd: {  	[tilespmem:s21+$0xFFFFFFF0] =	vst v0;
	(erf) = vrcp.f32 v56  }
0x2fe: {  	[tilespmem:s21+$0x0] =	vst v47;
	(erf) = vrcp.f32 v58  }
0x2ff: {  	[tilespmem:s22+$0xFFFFFFF0] =	vst v49  }
0x300: {  	[tilespmem:s22+$0x0] =	vst v51  }
0x301: {  	[tilespmem:s23+$0xFFFFFFF0] =	vst v53  }
0x302: {  	[tilespmem:s23+$0x0] =	vst v8  }
0x303: {  	[tilespmem:s10+$0xFFFFFFF0] =	vst v55;
	v59 =	vpop (erf)  }
0x304: {  	[tilespmem:s10+$0x0] =	vst v59;
	v60 =	vpop (erf)  }
0x305: {  	[tilespmem:s24+$0xFFFFFFF0] =	vst v60;
	v61 =	vpop (erf)  }
0x306: {  	[tilespmem:s24+$0x0] =	vst v61;
	v62 =	vpop (erf)  }
0x307: {  	[tilespmem:s25+$0xFFFFFFF0] =	vst v62;
	v63 =	vpop (erf)  }
0x308: {  	[tilespmem:s25+$0x0] =	vst v63  }
0x309: {  	v0 =	vld [tilespmem:$0x13D20];
	_ =	sdelay $0x4  }
0x30a: {  	v0 =	vadd.f32 $-2.000000000e+00, v0;
	_ =	sdelay $0x1  }
0x30b: {  	v0 =	vmul.f32 $1.442695020e+00, v0;
	_ =	sdelay $0x1  }
0x30c: {  	(erf) = vpow2.f32 v0;
	_ =	sdelay $0x8  }
0x30d: {  	v0 =	vpop (erf)  }
0x30e: {  	v0 =	vadd.f32 $1.000000000e+00, v0;
	_ =	sdelay $0x1  }
0x30f: {  	(erf) = vrcp.f32 v0;
	_ =	sdelay $0x8  }
0x310: {  	v0 =	vpop (erf)  }
0x311: {  	s4 =	rddreg [dreg:$0x8];
	[tilespmem:$0x13D20] =	vst v0  }
0x312: {  	[hbm4b:s4+s2] =	stream.linear.scatter [tilespmem:s0], [sflag:$0xB], $0x2710, $0x38;
	[tilespmem:$0x1D970] =	vst v63  }
0x313: {  	_ =	swait.ge [sflag:s9], $0x2710  }
0x314: {  	s20 =	sadd.s32 $0x1, s20;
	s28 =	rddreg [dreg:$0x9]  }
0x315: {  	p1 =	sne.s32 s20, s28  }
.Ltmp8:
0x316: {  	_ = 	snop;
	(pc) =	sbr.rel @p1 .LBB2_1-.Ltmp8, $3  }
0x317: {  	_ =	sdelay $0x1  }
0x318: {  	[sflag:s9] =	ssyncset.done $0x0  }
0x319: {  	[sflag:s9] =	ssyncadd.s32 $0xFFFFD8F0  }
0x31a: {  	_ =	sfence.sel $0x180000  }
0x31b: {  	[bflag:$0x0] =	sbarrier.arrive $0xFFFF  }
0x31c: {  	_ =	strace $0x90000047  }
0x31d: {  	[bflag:$0x2] =	sbarrier.arrive $0xFFFF  }
0x31e: {  	s0 =	rddreg [dreg:$0x5]  }
0x31f: {  	s0 =	sadd.s32 @!p0 $0x100000, s0  }
0x320: {  	[sflag:s0] =	ssyncadd.tile.s32 @!p0 $0x1;
	_ =	shalt  }
.Lfunc_end2:
_tile_overlayer_lowered:
.L_overlay_start_2:
0x321: {  	(tag) =	ssettag $0x2  }
0x322: {  	s0 =	rddreg [dreg:$0x0];
	s2 =	stileid.u32  }
0x323: {  	s1 =	rddreg [dreg:$0x1];
	p0 =	sne.s32 s2, $0x0  }
0x324: {  	s3 =	rddreg [dreg:$0x2];
	[bflag:$0x3] =	sbarrier.arrive $0xFFFF;
	s2 =	simm.s32 @!p0 $0x1C0B  }
0x325: {  	[timem:s3], [sflag:s2] =	dma.local @!p0 [hbm:s0], s1  }
0x326: {  	s0 =	simm.s32 @!p0 $0xB  }
0x327: {  	_ =	swait.ge @!p0 [sflag:s0], s1  }
0x328: {  	s1 =	ssub.s32 @!p0 $0x0, s1;
	[sflag:s0] =	ssyncset.done @!p0 $0x0  }
0x329: {  	[sflag:s0] =	ssyncadd.s32 @!p0 s1  }
0x32a: {  	[bflag:$0x3] =	sbarrier.arrive $0xFFFF  }
0x32b: {  	_ =	shalt  }

</sc_bundles>
